<compile_context>
chip_gen: v7x
topology: tpu7x:2x2x1
jax: 0.10.2.dev20260603
libtpu: 0.0.44.dev20260713+nightly
codegen_flags: <defaults>
</compile_context>

<pallas_src>
import functools

import jax
import jax.numpy as jnp
from jax import lax
from jax.experimental import pallas as pl
from jax.experimental.pallas import tpu as pltpu
from jax.experimental.pallas import tpu_sc as plsc

_N = 4194304
_NC = 2
_NS = 16
_NW = _NC * _NS
_CHUNK = _N // _NW
_BLK = 16384
_NBLK = _CHUNK // _BLK
_LANES = 16

_mesh = plsc.VectorSubcoreMesh(core_axis_name="c", subcore_axis_name="s")


@functools.partial(
    pl.kernel,
    mesh=_mesh,
    out_type=jax.ShapeDtypeStruct((_N,), jnp.float32),
    scratch_types=[
        pltpu.VMEM((_LANES,), jnp.float32),
        pltpu.VMEM((_BLK,), jnp.int32),
        pltpu.VMEM((_BLK,), jnp.int32),
        pltpu.VMEM((_BLK,), jnp.float32),
        pltpu.VMEM((_BLK,), jnp.float32),
        pltpu.SemaphoreType.DMA,
        pltpu.SemaphoreType.DMA,
        pltpu.SemaphoreType.DMA,
        pltpu.SemaphoreType.DMA,
    ],
)
def _gather_sc(table_hbm, idx_hbm, out_hbm, table_v,
               idx_v0, idx_v1, out_v0, out_v1,
               in_s0, in_s1, out_s0, out_s1):
    wid = lax.axis_index("s") * _NC + lax.axis_index("c")
    base = wid * _CHUNK
    pltpu.sync_copy(table_hbm, table_v.at[pl.ds(0, 4)])
    tab = table_v[...]

    idx_bufs = (idx_v0, idx_v1)
    out_bufs = (out_v0, out_v1)
    in_sems = (in_s0, in_s1)
    out_sems = (out_s0, out_s1)

    in_copies = {}
    out_copies = {}

    def start_in(b):
        in_copies[b] = pltpu.async_copy(
            idx_hbm.at[pl.ds(base + b * _BLK, _BLK)],
            idx_bufs[b % 2], in_sems[b % 2])

    start_in(0)
    for b in range(_NBLK):
        ib = idx_bufs[b % 2]
        ob = out_bufs[b % 2]
        in_copies.pop(b).wait()
        if b + 1 < _NBLK:
            start_in(b + 1)
        if b >= 2:
            out_copies.pop(b - 2).wait()

        @plsc.parallel_loop(0, _BLK, _LANES, unroll=8)
        def body(s):
            s = pl.multiple_of(s, _LANES)
            idx = ib[pl.ds(s, _LANES)]
            ob[pl.ds(s, _LANES)] = tab.at[idx].get(mode="promise_in_bounds")

        out_copies[b] = pltpu.async_copy(
            ob, out_hbm.at[pl.ds(base + b * _BLK, _BLK)], out_sems[b % 2])

    out_copies.pop(_NBLK - 2).wait()
    out_copies.pop(_NBLK - 1).wait()


def kernel(supervision_weight, index, dummy, bin_num_examples):
    return _gather_sc(bin_num_examples, index)

# --- scband reference (transcript-rebuilt; emitter-appended) ---
"""Pipeline reference for scband-mutate-buffer-10969346474421 (READ-ONLY COPY).

The authoritative reference and input builder live on the scoring server;
editing this copy changes nothing except your own understanding.
"""

import jax, jax.numpy as jnp
import numpy as np

N = 4194304
NUM_BINS = 4

def setup_inputs(seed: int = 0) -> dict:
    key = jax.random.key(seed)
    k1, k2, k3 = jax.random.split(key, 3)
    supervision_weight = jax.random.uniform(k1, (N,), dtype=jnp.float32)
    index = jax.random.randint(k2, (N,), 0, NUM_BINS, dtype=jnp.int32)
    dummy = jax.random.normal(k3, (16, 16), dtype=jnp.float32)
    # registered buffer _bin_num_examples, initialized to zeros (fill_(0.0));
    # float32 used in place of torch float64 (jax x64 disabled by default)
    bin_num_examples = jnp.zeros((NUM_BINS,), dtype=jnp.float32)
    return {
        "supervision_weight": supervision_weight,
        "index": index,
        "dummy": dummy,
        "bin_num_examples": bin_num_examples,
    }

def reference(supervision_weight, index, dummy, bin_num_examples):
    # read = self._bin_num_examples.index_select(0, index)
    read = jnp.take(bin_num_examples, index, axis=0)
    # _weighted_slices = torch.index_select(buf, 0, index) * 1.0
    weighted_slices = jnp.take(bin_num_examples, index, axis=0) * 1.0
    # buf.index_copy_(0, index, _weighted_slices.squeeze())  (scatter-overwrite)
    buf = bin_num_examples.at[index].set(jnp.squeeze(weighted_slices))
    # buf.index_add_(0, index, supervision_weight.squeeze())  (scatter-add)
    buf = buf.at[index].add(jnp.squeeze(supervision_weight))
    # original forward returns only `read` (buffer mutation is a side effect);
    # buf is the post-mutation buffer state
    return read

if __name__ == "__main__":
    import jax
    _d = setup_inputs()
    print(jax.jit(kernel)(*tuple(_d.values())))

</pallas_src>

<mosaic_0001>
#map = affine_map<(d0, d1) -> (0)>
module attributes {stable_mosaic.version = 14 : i64} {
  func.func @_gather_sc(%arg0: i32, %arg1: i32, %arg2: memref<4xf32, #tpu.memory_space<hbm>>, %arg3: memref<4194304xi32, #tpu.memory_space<hbm>>, %arg4: memref<4194304xf32, #tpu.memory_space<hbm>>, %arg5: memref<16xf32, #tpu.memory_space<vmem>>, %arg6: memref<16384xi32, #tpu.memory_space<vmem>>, %arg7: memref<16384xi32, #tpu.memory_space<vmem>>, %arg8: memref<16384xf32, #tpu.memory_space<vmem>>, %arg9: memref<16384xf32, #tpu.memory_space<vmem>>, %arg10: memref<!tpu.dma_semaphore, #tpu.memory_space<semaphore_mem>>, %arg11: memref<!tpu.dma_semaphore, #tpu.memory_space<semaphore_mem>>, %arg12: memref<!tpu.dma_semaphore, #tpu.memory_space<semaphore_mem>>, %arg13: memref<!tpu.dma_semaphore, #tpu.memory_space<semaphore_mem>>) attributes {dimension_semantics = [#tpu.dimension_semantics<core_parallel>, #tpu.dimension_semantics<subcore_parallel>], iteration_bounds = array<i64: 2, 16>, scalar_prefetch = 0 : i64, scratch_operands = 9 : i64, tpu.core_type = #tpu.core_type<sc_vector_subcore>, window_params = [{transform_indices = #map}, {transform_indices = #map}, {transform_indices = #map}]} {
    %mul3A = arith.constant 2 : i32
    %mul3A_0 = arith.muli %arg1, %mul3A : i32
    %add3A = arith.addi %mul3A_0, %arg0 : i32
    %mul3A_1 = arith.constant 131072 : i32
    %mul3A_2 = arith.muli %add3A, %mul3A_1 : i32
    "tpu.region"() ({
      %run_scoped3A = tpu.sem_alloc : memref<!tpu.dma_semaphore, #tpu.memory_space<semaphore_mem>>
      %dma_start3A_122 = arith.constant 0 : i32
      %dma_start3A_123 = tpu.memref_slice %arg5[%dma_start3A_122] : memref<16xf32, #tpu.memory_space<vmem>> -> memref<4xf32, #tpu.memory_space<vmem>>
      %dma_start3A_124 = arith.constant 0 : i32
      %dma_start3A_125 = tpu.memref_slice %arg5[%dma_start3A_124] : memref<16xf32, #tpu.memory_space<vmem>> -> memref<4xf32, #tpu.memory_space<vmem>>
      tpu.enqueue_dma source(%arg2 : memref<4xf32, #tpu.memory_space<hbm>>) target(%dma_start3A_125 : memref<4xf32, #tpu.memory_space<vmem>>) target_semaphore(%run_scoped3A : memref<!tpu.dma_semaphore, #tpu.memory_space<semaphore_mem>>)
      %dma_wait3A_126 = arith.constant 0 : i32
      %dma_wait3A_127 = tpu.memref_slice %arg5[%dma_wait3A_126] : memref<16xf32, #tpu.memory_space<vmem>> -> memref<4xf32, #tpu.memory_space<vmem>>
      %dma_wait3A_128 = arith.constant 0 : i32
      %dma_wait3A_129 = tpu.memref_slice %arg5[%dma_wait3A_128] : memref<16xf32, #tpu.memory_space<vmem>> -> memref<4xf32, #tpu.memory_space<vmem>>
      tpu.wait_dma2 semaphore(%run_scoped3A : memref<!tpu.dma_semaphore, #tpu.memory_space<semaphore_mem>>) src(%arg2 : memref<4xf32, #tpu.memory_space<hbm>>) dst(%dma_wait3A_129 : memref<4xf32, #tpu.memory_space<vmem>>)
      tpu.yield
    }) : () -> ()
    %get3A = arith.constant 0 : index
    %get3A_3 = tpu.vector_load %arg5[%get3A] {strides = array<i32>} : memref<16xf32, #tpu.memory_space<vmem>>, vector<16xf32>,
    %get3A_4 = vector.shape_cast %get3A_3 : vector<16xf32> to vector<16xf32>
    %add3A_5 = arith.constant 0 : i32
    %add3A_6 = arith.addi %mul3A_2, %add3A_5 : i32
    %dma_start3A = tpu.memref_slice %arg3[%add3A_6] : memref<4194304xi32, #tpu.memory_space<hbm>> -> memref<16384xi32, #tpu.memory_space<hbm>>
    %dma_start3A_7 = tpu.memref_slice %arg3[%add3A_6] : memref<4194304xi32, #tpu.memory_space<hbm>> -> memref<16384xi32, #tpu.memory_space<hbm>>
    tpu.enqueue_dma source(%dma_start3A_7 : memref<16384xi32, #tpu.memory_space<hbm>>) target(%arg6 : memref<16384xi32, #tpu.memory_space<vmem>>) target_semaphore(%arg10 : memref<!tpu.dma_semaphore, #tpu.memory_space<semaphore_mem>>)
    %dma_wait3A = tpu.memref_slice %arg3[%add3A_6] : memref<4194304xi32, #tpu.memory_space<hbm>> -> memref<16384xi32, #tpu.memory_space<hbm>>
    %dma_wait3A_8 = tpu.memref_slice %arg3[%add3A_6] : memref<4194304xi32, #tpu.memory_space<hbm>> -> memref<16384xi32, #tpu.memory_space<hbm>>
    tpu.wait_dma2 semaphore(%arg10 : memref<!tpu.dma_semaphore, #tpu.memory_space<semaphore_mem>>) src(%dma_wait3A_8 : memref<16384xi32, #tpu.memory_space<hbm>>) dst(%arg6 : memref<16384xi32, #tpu.memory_space<vmem>>)
    %add3A_9 = arith.constant 16384 : i32
    %add3A_10 = arith.addi %mul3A_2, %add3A_9 : i32
    %dma_start3A_11 = tpu.memref_slice %arg3[%add3A_10] : memref<4194304xi32, #tpu.memory_space<hbm>> -> memref<16384xi32, #tpu.memory_space<hbm>>
    %dma_start3A_12 = tpu.memref_slice %arg3[%add3A_10] : memref<4194304xi32, #tpu.memory_space<hbm>> -> memref<16384xi32, #tpu.memory_space<hbm>>
    tpu.enqueue_dma source(%dma_start3A_12 : memref<16384xi32, #tpu.memory_space<hbm>>) target(%arg7 : memref<16384xi32, #tpu.memory_space<vmem>>) target_semaphore(%arg11 : memref<!tpu.dma_semaphore, #tpu.memory_space<semaphore_mem>>)
    %parallel_loop3A = arith.constant 0 : i32
    %parallel_loop3A_13 = arith.constant 16384 : i32
    %parallel_loop3A_14 = arith.constant 16 : i32
    scf.for %parallel_loop3A_122 = %parallel_loop3A to %parallel_loop3A_13 step %parallel_loop3A_14  : i32 {
      %parallel_loop3A_123 = tpu.assume_multiple %parallel_loop3A_122, 16 : i32
      %parallel_loop3A_124 = arith.index_cast %parallel_loop3A_123 : i32 to index
      %parallel_loop3A_125 = tpu.vector_load %arg6[%parallel_loop3A_124] {strides = array<i32>} : memref<16384xi32, #tpu.memory_space<vmem>>, vector<16xi32>,
      %parallel_loop3A_126 = vector.shape_cast %parallel_loop3A_125 : vector<16xi32> to vector<16xi32>
      %parallel_loop3A_127 = arith.constant 0 : i32
      %parallel_loop3A_128 = vector.broadcast %parallel_loop3A_127 : i32 to vector<16xi32>
      %parallel_loop3A_129 = arith.cmpi slt, %parallel_loop3A_126, %parallel_loop3A_128 : vector<16xi32>
      %parallel_loop3A_130 = arith.constant 16 : i32
      %parallel_loop3A_131 = vector.broadcast %parallel_loop3A_130 : i32 to vector<16xi32>
      %parallel_loop3A_132 = arith.addi %parallel_loop3A_126, %parallel_loop3A_131 : vector<16xi32>
      %parallel_loop3A_133 = arith.select %parallel_loop3A_129, %parallel_loop3A_132, %parallel_loop3A_126 : vector<16xi1>, vector<16xi32>
      %parallel_loop3A_134 = vector.shape_cast %parallel_loop3A_133 : vector<16xi32> to vector<16x1xi32>
      %parallel_loop3A_135 = vector.shape_cast %parallel_loop3A_134 : vector<16x1xi32> to vector<16xi32>
      %parallel_loop3A_136 = tpu.dynamic_gather %get3A_4[%parallel_loop3A_135] in [0] : vector<16xf32>, vector<16xi32> -> vector<16xf32>
      %parallel_loop3A_137 = arith.index_cast %parallel_loop3A_123 : i32 to index
      %parallel_loop3A_138 = tpu.vector_load %arg8[%parallel_loop3A_137] {strides = array<i32>} : memref<16384xf32, #tpu.memory_space<vmem>>, vector<16xf32>,
      %parallel_loop3A_139 = vector.shape_cast %parallel_loop3A_138 : vector<16xf32> to vector<16xf32>
      %parallel_loop3A_140 = vector.shape_cast %parallel_loop3A_136 : vector<16xf32> to vector<16xf32>
      tpu.vector_store %arg8[%parallel_loop3A_137], %parallel_loop3A_140 {strides = array<i32>} : memref<16384xf32, #tpu.memory_space<vmem>>, vector<16xf32>,
    } {sc.loop_unroll_factor = 8 : i64, sc.parallel_access}
    %add3A_15 = arith.constant 0 : i32
    %add3A_16 = arith.addi %mul3A_2, %add3A_15 : i32
    %dma_start3A_17 = tpu.memref_slice %arg4[%add3A_16] : memref<4194304xf32, #tpu.memory_space<hbm>> -> memref<16384xf32, #tpu.memory_space<hbm>>
    %dma_start3A_18 = tpu.memref_slice %arg4[%add3A_16] : memref<4194304xf32, #tpu.memory_space<hbm>> -> memref<16384xf32, #tpu.memory_space<hbm>>
    tpu.enqueue_dma source(%arg8 : memref<16384xf32, #tpu.memory_space<vmem>>) target(%dma_start3A_18 : memref<16384xf32, #tpu.memory_space<hbm>>) target_semaphore(%arg12 : memref<!tpu.dma_semaphore, #tpu.memory_space<semaphore_mem>>)
    %dma_wait3A_19 = tpu.memref_slice %arg3[%add3A_10] : memref<4194304xi32, #tpu.memory_space<hbm>> -> memref<16384xi32, #tpu.memory_space<hbm>>
    %dma_wait3A_20 = tpu.memref_slice %arg3[%add3A_10] : memref<4194304xi32, #tpu.memory_space<hbm>> -> memref<16384xi32, #tpu.memory_space<hbm>>
    tpu.wait_dma2 semaphore(%arg11 : memref<!tpu.dma_semaphore, #tpu.memory_space<semaphore_mem>>) src(%dma_wait3A_20 : memref<16384xi32, #tpu.memory_space<hbm>>) dst(%arg7 : memref<16384xi32, #tpu.memory_space<vmem>>)
    %add3A_21 = arith.constant 32768 : i32
    %add3A_22 = arith.addi %mul3A_2, %add3A_21 : i32
    %dma_start3A_23 = tpu.memref_slice %arg3[%add3A_22] : memref<4194304xi32, #tpu.memory_space<hbm>> -> memref<16384xi32, #tpu.memory_space<hbm>>
    %dma_start3A_24 = tpu.memref_slice %arg3[%add3A_22] : memref<4194304xi32, #tpu.memory_space<hbm>> -> memref<16384xi32, #tpu.memory_space<hbm>>
    tpu.enqueue_dma source(%dma_start3A_24 : memref<16384xi32, #tpu.memory_space<hbm>>) target(%arg6 : memref<16384xi32, #tpu.memory_space<vmem>>) target_semaphore(%arg10 : memref<!tpu.dma_semaphore, #tpu.memory_space<semaphore_mem>>)
    %parallel_loop3A_25 = arith.constant 0 : i32
    %parallel_loop3A_26 = arith.constant 16384 : i32
    %parallel_loop3A_27 = arith.constant 16 : i32
    scf.for %parallel_loop3A_122 = %parallel_loop3A_25 to %parallel_loop3A_26 step %parallel_loop3A_27  : i32 {
      %parallel_loop3A_123 = tpu.assume_multiple %parallel_loop3A_122, 16 : i32
      %parallel_loop3A_124 = arith.index_cast %parallel_loop3A_123 : i32 to index
      %parallel_loop3A_125 = tpu.vector_load %arg7[%parallel_loop3A_124] {strides = array<i32>} : memref<16384xi32, #tpu.memory_space<vmem>>, vector<16xi32>,
      %parallel_loop3A_126 = vector.shape_cast %parallel_loop3A_125 : vector<16xi32> to vector<16xi32>
      %parallel_loop3A_127 = arith.constant 0 : i32
      %parallel_loop3A_128 = vector.broadcast %parallel_loop3A_127 : i32 to vector<16xi32>
      %parallel_loop3A_129 = arith.cmpi slt, %parallel_loop3A_126, %parallel_loop3A_128 : vector<16xi32>
      %parallel_loop3A_130 = arith.constant 16 : i32
      %parallel_loop3A_131 = vector.broadcast %parallel_loop3A_130 : i32 to vector<16xi32>
      %parallel_loop3A_132 = arith.addi %parallel_loop3A_126, %parallel_loop3A_131 : vector<16xi32>
      %parallel_loop3A_133 = arith.select %parallel_loop3A_129, %parallel_loop3A_132, %parallel_loop3A_126 : vector<16xi1>, vector<16xi32>
      %parallel_loop3A_134 = vector.shape_cast %parallel_loop3A_133 : vector<16xi32> to vector<16x1xi32>
      %parallel_loop3A_135 = vector.shape_cast %parallel_loop3A_134 : vector<16x1xi32> to vector<16xi32>
      %parallel_loop3A_136 = tpu.dynamic_gather %get3A_4[%parallel_loop3A_135] in [0] : vector<16xf32>, vector<16xi32> -> vector<16xf32>
      %parallel_loop3A_137 = arith.index_cast %parallel_loop3A_123 : i32 to index
      %parallel_loop3A_138 = tpu.vector_load %arg9[%parallel_loop3A_137] {strides = array<i32>} : memref<16384xf32, #tpu.memory_space<vmem>>, vector<16xf32>,
      %parallel_loop3A_139 = vector.shape_cast %parallel_loop3A_138 : vector<16xf32> to vector<16xf32>
      %parallel_loop3A_140 = vector.shape_cast %parallel_loop3A_136 : vector<16xf32> to vector<16xf32>
      tpu.vector_store %arg9[%parallel_loop3A_137], %parallel_loop3A_140 {strides = array<i32>} : memref<16384xf32, #tpu.memory_space<vmem>>, vector<16xf32>,
    } {sc.loop_unroll_factor = 8 : i64, sc.parallel_access}
    %add3A_28 = arith.constant 16384 : i32
    %add3A_29 = arith.addi %mul3A_2, %add3A_28 : i32
    %dma_start3A_30 = tpu.memref_slice %arg4[%add3A_29] : memref<4194304xf32, #tpu.memory_space<hbm>> -> memref<16384xf32, #tpu.memory_space<hbm>>
    %dma_start3A_31 = tpu.memref_slice %arg4[%add3A_29] : memref<4194304xf32, #tpu.memory_space<hbm>> -> memref<16384xf32, #tpu.memory_space<hbm>>
    tpu.enqueue_dma source(%arg9 : memref<16384xf32, #tpu.memory_space<vmem>>) target(%dma_start3A_31 : memref<16384xf32, #tpu.memory_space<hbm>>) target_semaphore(%arg13 : memref<!tpu.dma_semaphore, #tpu.memory_space<semaphore_mem>>)
    %dma_wait3A_32 = tpu.memref_slice %arg3[%add3A_22] : memref<4194304xi32, #tpu.memory_space<hbm>> -> memref<16384xi32, #tpu.memory_space<hbm>>
    %dma_wait3A_33 = tpu.memref_slice %arg3[%add3A_22] : memref<4194304xi32, #tpu.memory_space<hbm>> -> memref<16384xi32, #tpu.memory_space<hbm>>
    tpu.wait_dma2 semaphore(%arg10 : memref<!tpu.dma_semaphore, #tpu.memory_space<semaphore_mem>>) src(%dma_wait3A_33 : memref<16384xi32, #tpu.memory_space<hbm>>) dst(%arg6 : memref<16384xi32, #tpu.memory_space<vmem>>)
    %add3A_34 = arith.constant 49152 : i32
    %add3A_35 = arith.addi %mul3A_2, %add3A_34 : i32
    %dma_start3A_36 = tpu.memref_slice %arg3[%add3A_35] : memref<4194304xi32, #tpu.memory_space<hbm>> -> memref<16384xi32, #tpu.memory_space<hbm>>
    %dma_start3A_37 = tpu.memref_slice %arg3[%add3A_35] : memref<4194304xi32, #tpu.memory_space<hbm>> -> memref<16384xi32, #tpu.memory_space<hbm>>
    tpu.enqueue_dma source(%dma_start3A_37 : memref<16384xi32, #tpu.memory_space<hbm>>) target(%arg7 : memref<16384xi32, #tpu.memory_space<vmem>>) target_semaphore(%arg11 : memref<!tpu.dma_semaphore, #tpu.memory_space<semaphore_mem>>)
    %dma_wait3A_38 = tpu.memref_slice %arg4[%add3A_16] : memref<4194304xf32, #tpu.memory_space<hbm>> -> memref<16384xf32, #tpu.memory_space<hbm>>
    %dma_wait3A_39 = tpu.memref_slice %arg4[%add3A_16] : memref<4194304xf32, #tpu.memory_space<hbm>> -> memref<16384xf32, #tpu.memory_space<hbm>>
    tpu.wait_dma2 semaphore(%arg12 : memref<!tpu.dma_semaphore, #tpu.memory_space<semaphore_mem>>) src(%arg8 : memref<16384xf32, #tpu.memory_space<vmem>>) dst(%dma_wait3A_39 : memref<16384xf32, #tpu.memory_space<hbm>>)
    %parallel_loop3A_40 = arith.constant 0 : i32
    %parallel_loop3A_41 = arith.constant 16384 : i32
    %parallel_loop3A_42 = arith.constant 16 : i32
    scf.for %parallel_loop3A_122 = %parallel_loop3A_40 to %parallel_loop3A_41 step %parallel_loop3A_42  : i32 {
      %parallel_loop3A_123 = tpu.assume_multiple %parallel_loop3A_122, 16 : i32
      %parallel_loop3A_124 = arith.index_cast %parallel_loop3A_123 : i32 to index
      %parallel_loop3A_125 = tpu.vector_load %arg6[%parallel_loop3A_124] {strides = array<i32>} : memref<16384xi32, #tpu.memory_space<vmem>>, vector<16xi32>,
      %parallel_loop3A_126 = vector.shape_cast %parallel_loop3A_125 : vector<16xi32> to vector<16xi32>
      %parallel_loop3A_127 = arith.constant 0 : i32
      %parallel_loop3A_128 = vector.broadcast %parallel_loop3A_127 : i32 to vector<16xi32>
      %parallel_loop3A_129 = arith.cmpi slt, %parallel_loop3A_126, %parallel_loop3A_128 : vector<16xi32>
      %parallel_loop3A_130 = arith.constant 16 : i32
      %parallel_loop3A_131 = vector.broadcast %parallel_loop3A_130 : i32 to vector<16xi32>
      %parallel_loop3A_132 = arith.addi %parallel_loop3A_126, %parallel_loop3A_131 : vector<16xi32>
      %parallel_loop3A_133 = arith.select %parallel_loop3A_129, %parallel_loop3A_132, %parallel_loop3A_126 : vector<16xi1>, vector<16xi32>
      %parallel_loop3A_134 = vector.shape_cast %parallel_loop3A_133 : vector<16xi32> to vector<16x1xi32>
      %parallel_loop3A_135 = vector.shape_cast %parallel_loop3A_134 : vector<16x1xi32> to vector<16xi32>
      %parallel_loop3A_136 = tpu.dynamic_gather %get3A_4[%parallel_loop3A_135] in [0] : vector<16xf32>, vector<16xi32> -> vector<16xf32>
      %parallel_loop3A_137 = arith.index_cast %parallel_loop3A_123 : i32 to index
      %parallel_loop3A_138 = tpu.vector_load %arg8[%parallel_loop3A_137] {strides = array<i32>} : memref<16384xf32, #tpu.memory_space<vmem>>, vector<16xf32>,
      %parallel_loop3A_139 = vector.shape_cast %parallel_loop3A_138 : vector<16xf32> to vector<16xf32>
      %parallel_loop3A_140 = vector.shape_cast %parallel_loop3A_136 : vector<16xf32> to vector<16xf32>
      tpu.vector_store %arg8[%parallel_loop3A_137], %parallel_loop3A_140 {strides = array<i32>} : memref<16384xf32, #tpu.memory_space<vmem>>, vector<16xf32>,
    } {sc.loop_unroll_factor = 8 : i64, sc.parallel_access}
    %add3A_43 = arith.constant 32768 : i32
    %add3A_44 = arith.addi %mul3A_2, %add3A_43 : i32
    %dma_start3A_45 = tpu.memref_slice %arg4[%add3A_44] : memref<4194304xf32, #tpu.memory_space<hbm>> -> memref<16384xf32, #tpu.memory_space<hbm>>
    %dma_start3A_46 = tpu.memref_slice %arg4[%add3A_44] : memref<4194304xf32, #tpu.memory_space<hbm>> -> memref<16384xf32, #tpu.memory_space<hbm>>
    tpu.enqueue_dma source(%arg8 : memref<16384xf32, #tpu.memory_space<vmem>>) target(%dma_start3A_46 : memref<16384xf32, #tpu.memory_space<hbm>>) target_semaphore(%arg12 : memref<!tpu.dma_semaphore, #tpu.memory_space<semaphore_mem>>)
    %dma_wait3A_47 = tpu.memref_slice %arg3[%add3A_35] : memref<4194304xi32, #tpu.memory_space<hbm>> -> memref<16384xi32, #tpu.memory_space<hbm>>
    %dma_wait3A_48 = tpu.memref_slice %arg3[%add3A_35] : memref<4194304xi32, #tpu.memory_space<hbm>> -> memref<16384xi32, #tpu.memory_space<hbm>>
    tpu.wait_dma2 semaphore(%arg11 : memref<!tpu.dma_semaphore, #tpu.memory_space<semaphore_mem>>) src(%dma_wait3A_48 : memref<16384xi32, #tpu.memory_space<hbm>>) dst(%arg7 : memref<16384xi32, #tpu.memory_space<vmem>>)
    %add3A_49 = arith.constant 65536 : i32
    %add3A_50 = arith.addi %mul3A_2, %add3A_49 : i32
    %dma_start3A_51 = tpu.memref_slice %arg3[%add3A_50] : memref<4194304xi32, #tpu.memory_space<hbm>> -> memref<16384xi32, #tpu.memory_space<hbm>>
    %dma_start3A_52 = tpu.memref_slice %arg3[%add3A_50] : memref<4194304xi32, #tpu.memory_space<hbm>> -> memref<16384xi32, #tpu.memory_space<hbm>>
    tpu.enqueue_dma source(%dma_start3A_52 : memref<16384xi32, #tpu.memory_space<hbm>>) target(%arg6 : memref<16384xi32, #tpu.memory_space<vmem>>) target_semaphore(%arg10 : memref<!tpu.dma_semaphore, #tpu.memory_space<semaphore_mem>>)
    %dma_wait3A_53 = tpu.memref_slice %arg4[%add3A_29] : memref<4194304xf32, #tpu.memory_space<hbm>> -> memref<16384xf32, #tpu.memory_space<hbm>>
    %dma_wait3A_54 = tpu.memref_slice %arg4[%add3A_29] : memref<4194304xf32, #tpu.memory_space<hbm>> -> memref<16384xf32, #tpu.memory_space<hbm>>
    tpu.wait_dma2 semaphore(%arg13 : memref<!tpu.dma_semaphore, #tpu.memory_space<semaphore_mem>>) src(%arg9 : memref<16384xf32, #tpu.memory_space<vmem>>) dst(%dma_wait3A_54 : memref<16384xf32, #tpu.memory_space<hbm>>)
    %parallel_loop3A_55 = arith.constant 0 : i32
    %parallel_loop3A_56 = arith.constant 16384 : i32
    %parallel_loop3A_57 = arith.constant 16 : i32
    scf.for %parallel_loop3A_122 = %parallel_loop3A_55 to %parallel_loop3A_56 step %parallel_loop3A_57  : i32 {
      %parallel_loop3A_123 = tpu.assume_multiple %parallel_loop3A_122, 16 : i32
      %parallel_loop3A_124 = arith.index_cast %parallel_loop3A_123 : i32 to index
      %parallel_loop3A_125 = tpu.vector_load %arg7[%parallel_loop3A_124] {strides = array<i32>} : memref<16384xi32, #tpu.memory_space<vmem>>, vector<16xi32>,
      %parallel_loop3A_126 = vector.shape_cast %parallel_loop3A_125 : vector<16xi32> to vector<16xi32>
      %parallel_loop3A_127 = arith.constant 0 : i32
      %parallel_loop3A_128 = vector.broadcast %parallel_loop3A_127 : i32 to vector<16xi32>
      %parallel_loop3A_129 = arith.cmpi slt, %parallel_loop3A_126, %parallel_loop3A_128 : vector<16xi32>
      %parallel_loop3A_130 = arith.constant 16 : i32
      %parallel_loop3A_131 = vector.broadcast %parallel_loop3A_130 : i32 to vector<16xi32>
      %parallel_loop3A_132 = arith.addi %parallel_loop3A_126, %parallel_loop3A_131 : vector<16xi32>
      %parallel_loop3A_133 = arith.select %parallel_loop3A_129, %parallel_loop3A_132, %parallel_loop3A_126 : vector<16xi1>, vector<16xi32>
      %parallel_loop3A_134 = vector.shape_cast %parallel_loop3A_133 : vector<16xi32> to vector<16x1xi32>
      %parallel_loop3A_135 = vector.shape_cast %parallel_loop3A_134 : vector<16x1xi32> to vector<16xi32>
      %parallel_loop3A_136 = tpu.dynamic_gather %get3A_4[%parallel_loop3A_135] in [0] : vector<16xf32>, vector<16xi32> -> vector<16xf32>
      %parallel_loop3A_137 = arith.index_cast %parallel_loop3A_123 : i32 to index
      %parallel_loop3A_138 = tpu.vector_load %arg9[%parallel_loop3A_137] {strides = array<i32>} : memref<16384xf32, #tpu.memory_space<vmem>>, vector<16xf32>,
      %parallel_loop3A_139 = vector.shape_cast %parallel_loop3A_138 : vector<16xf32> to vector<16xf32>
      %parallel_loop3A_140 = vector.shape_cast %parallel_loop3A_136 : vector<16xf32> to vector<16xf32>
      tpu.vector_store %arg9[%parallel_loop3A_137], %parallel_loop3A_140 {strides = array<i32>} : memref<16384xf32, #tpu.memory_space<vmem>>, vector<16xf32>,
    } {sc.loop_unroll_factor = 8 : i64, sc.parallel_access}
    %add3A_58 = arith.constant 49152 : i32
    %add3A_59 = arith.addi %mul3A_2, %add3A_58 : i32
    %dma_start3A_60 = tpu.memref_slice %arg4[%add3A_59] : memref<4194304xf32, #tpu.memory_space<hbm>> -> memref<16384xf32, #tpu.memory_space<hbm>>
    %dma_start3A_61 = tpu.memref_slice %arg4[%add3A_59] : memref<4194304xf32, #tpu.memory_space<hbm>> -> memref<16384xf32, #tpu.memory_space<hbm>>
    tpu.enqueue_dma source(%arg9 : memref<16384xf32, #tpu.memory_space<vmem>>) target(%dma_start3A_61 : memref<16384xf32, #tpu.memory_space<hbm>>) target_semaphore(%arg13 : memref<!tpu.dma_semaphore, #tpu.memory_space<semaphore_mem>>)
    %dma_wait3A_62 = tpu.memref_slice %arg3[%add3A_50] : memref<4194304xi32, #tpu.memory_space<hbm>> -> memref<16384xi32, #tpu.memory_space<hbm>>
    %dma_wait3A_63 = tpu.memref_slice %arg3[%add3A_50] : memref<4194304xi32, #tpu.memory_space<hbm>> -> memref<16384xi32, #tpu.memory_space<hbm>>
    tpu.wait_dma2 semaphore(%arg10 : memref<!tpu.dma_semaphore, #tpu.memory_space<semaphore_mem>>) src(%dma_wait3A_63 : memref<16384xi32, #tpu.memory_space<hbm>>) dst(%arg6 : memref<16384xi32, #tpu.memory_space<vmem>>)
    %add3A_64 = arith.constant 81920 : i32
    %add3A_65 = arith.addi %mul3A_2, %add3A_64 : i32
    %dma_start3A_66 = tpu.memref_slice %arg3[%add3A_65] : memref<4194304xi32, #tpu.memory_space<hbm>> -> memref<16384xi32, #tpu.memory_space<hbm>>
    %dma_start3A_67 = tpu.memref_slice %arg3[%add3A_65] : memref<4194304xi32, #tpu.memory_space<hbm>> -> memref<16384xi32, #tpu.memory_space<hbm>>
    tpu.enqueue_dma source(%dma_start3A_67 : memref<16384xi32, #tpu.memory_space<hbm>>) target(%arg7 : memref<16384xi32, #tpu.memory_space<vmem>>) target_semaphore(%arg11 : memref<!tpu.dma_semaphore, #tpu.memory_space<semaphore_mem>>)
    %dma_wait3A_68 = tpu.memref_slice %arg4[%add3A_44] : memref<4194304xf32, #tpu.memory_space<hbm>> -> memref<16384xf32, #tpu.memory_space<hbm>>
    %dma_wait3A_69 = tpu.memref_slice %arg4[%add3A_44] : memref<4194304xf32, #tpu.memory_space<hbm>> -> memref<16384xf32, #tpu.memory_space<hbm>>
    tpu.wait_dma2 semaphore(%arg12 : memref<!tpu.dma_semaphore, #tpu.memory_space<semaphore_mem>>) src(%arg8 : memref<16384xf32, #tpu.memory_space<vmem>>) dst(%dma_wait3A_69 : memref<16384xf32, #tpu.memory_space<hbm>>)
    %parallel_loop3A_70 = arith.constant 0 : i32
    %parallel_loop3A_71 = arith.constant 16384 : i32
    %parallel_loop3A_72 = arith.constant 16 : i32
    scf.for %parallel_loop3A_122 = %parallel_loop3A_70 to %parallel_loop3A_71 step %parallel_loop3A_72  : i32 {
      %parallel_loop3A_123 = tpu.assume_multiple %parallel_loop3A_122, 16 : i32
      %parallel_loop3A_124 = arith.index_cast %parallel_loop3A_123 : i32 to index
      %parallel_loop3A_125 = tpu.vector_load %arg6[%parallel_loop3A_124] {strides = array<i32>} : memref<16384xi32, #tpu.memory_space<vmem>>, vector<16xi32>,
      %parallel_loop3A_126 = vector.shape_cast %parallel_loop3A_125 : vector<16xi32> to vector<16xi32>
      %parallel_loop3A_127 = arith.constant 0 : i32
      %parallel_loop3A_128 = vector.broadcast %parallel_loop3A_127 : i32 to vector<16xi32>
      %parallel_loop3A_129 = arith.cmpi slt, %parallel_loop3A_126, %parallel_loop3A_128 : vector<16xi32>
      %parallel_loop3A_130 = arith.constant 16 : i32
      %parallel_loop3A_131 = vector.broadcast %parallel_loop3A_130 : i32 to vector<16xi32>
      %parallel_loop3A_132 = arith.addi %parallel_loop3A_126, %parallel_loop3A_131 : vector<16xi32>
      %parallel_loop3A_133 = arith.select %parallel_loop3A_129, %parallel_loop3A_132, %parallel_loop3A_126 : vector<16xi1>, vector<16xi32>
      %parallel_loop3A_134 = vector.shape_cast %parallel_loop3A_133 : vector<16xi32> to vector<16x1xi32>
      %parallel_loop3A_135 = vector.shape_cast %parallel_loop3A_134 : vector<16x1xi32> to vector<16xi32>
      %parallel_loop3A_136 = tpu.dynamic_gather %get3A_4[%parallel_loop3A_135] in [0] : vector<16xf32>, vector<16xi32> -> vector<16xf32>
      %parallel_loop3A_137 = arith.index_cast %parallel_loop3A_123 : i32 to index
      %parallel_loop3A_138 = tpu.vector_load %arg8[%parallel_loop3A_137] {strides = array<i32>} : memref<16384xf32, #tpu.memory_space<vmem>>, vector<16xf32>,
      %parallel_loop3A_139 = vector.shape_cast %parallel_loop3A_138 : vector<16xf32> to vector<16xf32>
      %parallel_loop3A_140 = vector.shape_cast %parallel_loop3A_136 : vector<16xf32> to vector<16xf32>
      tpu.vector_store %arg8[%parallel_loop3A_137], %parallel_loop3A_140 {strides = array<i32>} : memref<16384xf32, #tpu.memory_space<vmem>>, vector<16xf32>,
    } {sc.loop_unroll_factor = 8 : i64, sc.parallel_access}
    %add3A_73 = arith.constant 65536 : i32
    %add3A_74 = arith.addi %mul3A_2, %add3A_73 : i32
    %dma_start3A_75 = tpu.memref_slice %arg4[%add3A_74] : memref<4194304xf32, #tpu.memory_space<hbm>> -> memref<16384xf32, #tpu.memory_space<hbm>>
    %dma_start3A_76 = tpu.memref_slice %arg4[%add3A_74] : memref<4194304xf32, #tpu.memory_space<hbm>> -> memref<16384xf32, #tpu.memory_space<hbm>>
    tpu.enqueue_dma source(%arg8 : memref<16384xf32, #tpu.memory_space<vmem>>) target(%dma_start3A_76 : memref<16384xf32, #tpu.memory_space<hbm>>) target_semaphore(%arg12 : memref<!tpu.dma_semaphore, #tpu.memory_space<semaphore_mem>>)
    %dma_wait3A_77 = tpu.memref_slice %arg3[%add3A_65] : memref<4194304xi32, #tpu.memory_space<hbm>> -> memref<16384xi32, #tpu.memory_space<hbm>>
    %dma_wait3A_78 = tpu.memref_slice %arg3[%add3A_65] : memref<4194304xi32, #tpu.memory_space<hbm>> -> memref<16384xi32, #tpu.memory_space<hbm>>
    tpu.wait_dma2 semaphore(%arg11 : memref<!tpu.dma_semaphore, #tpu.memory_space<semaphore_mem>>) src(%dma_wait3A_78 : memref<16384xi32, #tpu.memory_space<hbm>>) dst(%arg7 : memref<16384xi32, #tpu.memory_space<vmem>>)
    %add3A_79 = arith.constant 98304 : i32
    %add3A_80 = arith.addi %mul3A_2, %add3A_79 : i32
    %dma_start3A_81 = tpu.memref_slice %arg3[%add3A_80] : memref<4194304xi32, #tpu.memory_space<hbm>> -> memref<16384xi32, #tpu.memory_space<hbm>>
    %dma_start3A_82 = tpu.memref_slice %arg3[%add3A_80] : memref<4194304xi32, #tpu.memory_space<hbm>> -> memref<16384xi32, #tpu.memory_space<hbm>>
    tpu.enqueue_dma source(%dma_start3A_82 : memref<16384xi32, #tpu.memory_space<hbm>>) target(%arg6 : memref<16384xi32, #tpu.memory_space<vmem>>) target_semaphore(%arg10 : memref<!tpu.dma_semaphore, #tpu.memory_space<semaphore_mem>>)
    %dma_wait3A_83 = tpu.memref_slice %arg4[%add3A_59] : memref<4194304xf32, #tpu.memory_space<hbm>> -> memref<16384xf32, #tpu.memory_space<hbm>>
    %dma_wait3A_84 = tpu.memref_slice %arg4[%add3A_59] : memref<4194304xf32, #tpu.memory_space<hbm>> -> memref<16384xf32, #tpu.memory_space<hbm>>
    tpu.wait_dma2 semaphore(%arg13 : memref<!tpu.dma_semaphore, #tpu.memory_space<semaphore_mem>>) src(%arg9 : memref<16384xf32, #tpu.memory_space<vmem>>) dst(%dma_wait3A_84 : memref<16384xf32, #tpu.memory_space<hbm>>)
    %parallel_loop3A_85 = arith.constant 0 : i32
    %parallel_loop3A_86 = arith.constant 16384 : i32
    %parallel_loop3A_87 = arith.constant 16 : i32
    scf.for %parallel_loop3A_122 = %parallel_loop3A_85 to %parallel_loop3A_86 step %parallel_loop3A_87  : i32 {
      %parallel_loop3A_123 = tpu.assume_multiple %parallel_loop3A_122, 16 : i32
      %parallel_loop3A_124 = arith.index_cast %parallel_loop3A_123 : i32 to index
      %parallel_loop3A_125 = tpu.vector_load %arg7[%parallel_loop3A_124] {strides = array<i32>} : memref<16384xi32, #tpu.memory_space<vmem>>, vector<16xi32>,
      %parallel_loop3A_126 = vector.shape_cast %parallel_loop3A_125 : vector<16xi32> to vector<16xi32>
      %parallel_loop3A_127 = arith.constant 0 : i32
      %parallel_loop3A_128 = vector.broadcast %parallel_loop3A_127 : i32 to vector<16xi32>
      %parallel_loop3A_129 = arith.cmpi slt, %parallel_loop3A_126, %parallel_loop3A_128 : vector<16xi32>
      %parallel_loop3A_130 = arith.constant 16 : i32
      %parallel_loop3A_131 = vector.broadcast %parallel_loop3A_130 : i32 to vector<16xi32>
      %parallel_loop3A_132 = arith.addi %parallel_loop3A_126, %parallel_loop3A_131 : vector<16xi32>
      %parallel_loop3A_133 = arith.select %parallel_loop3A_129, %parallel_loop3A_132, %parallel_loop3A_126 : vector<16xi1>, vector<16xi32>
      %parallel_loop3A_134 = vector.shape_cast %parallel_loop3A_133 : vector<16xi32> to vector<16x1xi32>
      %parallel_loop3A_135 = vector.shape_cast %parallel_loop3A_134 : vector<16x1xi32> to vector<16xi32>
      %parallel_loop3A_136 = tpu.dynamic_gather %get3A_4[%parallel_loop3A_135] in [0] : vector<16xf32>, vector<16xi32> -> vector<16xf32>
      %parallel_loop3A_137 = arith.index_cast %parallel_loop3A_123 : i32 to index
      %parallel_loop3A_138 = tpu.vector_load %arg9[%parallel_loop3A_137] {strides = array<i32>} : memref<16384xf32, #tpu.memory_space<vmem>>, vector<16xf32>,
      %parallel_loop3A_139 = vector.shape_cast %parallel_loop3A_138 : vector<16xf32> to vector<16xf32>
      %parallel_loop3A_140 = vector.shape_cast %parallel_loop3A_136 : vector<16xf32> to vector<16xf32>
      tpu.vector_store %arg9[%parallel_loop3A_137], %parallel_loop3A_140 {strides = array<i32>} : memref<16384xf32, #tpu.memory_space<vmem>>, vector<16xf32>,
    } {sc.loop_unroll_factor = 8 : i64, sc.parallel_access}
    %add3A_88 = arith.constant 81920 : i32
    %add3A_89 = arith.addi %mul3A_2, %add3A_88 : i32
    %dma_start3A_90 = tpu.memref_slice %arg4[%add3A_89] : memref<4194304xf32, #tpu.memory_space<hbm>> -> memref<16384xf32, #tpu.memory_space<hbm>>
    %dma_start3A_91 = tpu.memref_slice %arg4[%add3A_89] : memref<4194304xf32, #tpu.memory_space<hbm>> -> memref<16384xf32, #tpu.memory_space<hbm>>
    tpu.enqueue_dma source(%arg9 : memref<16384xf32, #tpu.memory_space<vmem>>) target(%dma_start3A_91 : memref<16384xf32, #tpu.memory_space<hbm>>) target_semaphore(%arg13 : memref<!tpu.dma_semaphore, #tpu.memory_space<semaphore_mem>>)
    %dma_wait3A_92 = tpu.memref_slice %arg3[%add3A_80] : memref<4194304xi32, #tpu.memory_space<hbm>> -> memref<16384xi32, #tpu.memory_space<hbm>>
    %dma_wait3A_93 = tpu.memref_slice %arg3[%add3A_80] : memref<4194304xi32, #tpu.memory_space<hbm>> -> memref<16384xi32, #tpu.memory_space<hbm>>
    tpu.wait_dma2 semaphore(%arg10 : memref<!tpu.dma_semaphore, #tpu.memory_space<semaphore_mem>>) src(%dma_wait3A_93 : memref<16384xi32, #tpu.memory_space<hbm>>) dst(%arg6 : memref<16384xi32, #tpu.memory_space<vmem>>)
    %add3A_94 = arith.constant 114688 : i32
    %add3A_95 = arith.addi %mul3A_2, %add3A_94 : i32
    %dma_start3A_96 = tpu.memref_slice %arg3[%add3A_95] : memref<4194304xi32, #tpu.memory_space<hbm>> -> memref<16384xi32, #tpu.memory_space<hbm>>
    %dma_start3A_97 = tpu.memref_slice %arg3[%add3A_95] : memref<4194304xi32, #tpu.memory_space<hbm>> -> memref<16384xi32, #tpu.memory_space<hbm>>
    tpu.enqueue_dma source(%dma_start3A_97 : memref<16384xi32, #tpu.memory_space<hbm>>) target(%arg7 : memref<16384xi32, #tpu.memory_space<vmem>>) target_semaphore(%arg11 : memref<!tpu.dma_semaphore, #tpu.memory_space<semaphore_mem>>)
    %dma_wait3A_98 = tpu.memref_slice %arg4[%add3A_74] : memref<4194304xf32, #tpu.memory_space<hbm>> -> memref<16384xf32, #tpu.memory_space<hbm>>
    %dma_wait3A_99 = tpu.memref_slice %arg4[%add3A_74] : memref<4194304xf32, #tpu.memory_space<hbm>> -> memref<16384xf32, #tpu.memory_space<hbm>>
    tpu.wait_dma2 semaphore(%arg12 : memref<!tpu.dma_semaphore, #tpu.memory_space<semaphore_mem>>) src(%arg8 : memref<16384xf32, #tpu.memory_space<vmem>>) dst(%dma_wait3A_99 : memref<16384xf32, #tpu.memory_space<hbm>>)
    %parallel_loop3A_100 = arith.constant 0 : i32
    %parallel_loop3A_101 = arith.constant 16384 : i32
    %parallel_loop3A_102 = arith.constant 16 : i32
    scf.for %parallel_loop3A_122 = %parallel_loop3A_100 to %parallel_loop3A_101 step %parallel_loop3A_102  : i32 {
      %parallel_loop3A_123 = tpu.assume_multiple %parallel_loop3A_122, 16 : i32
      %parallel_loop3A_124 = arith.index_cast %parallel_loop3A_123 : i32 to index
      %parallel_loop3A_125 = tpu.vector_load %arg6[%parallel_loop3A_124] {strides = array<i32>} : memref<16384xi32, #tpu.memory_space<vmem>>, vector<16xi32>,
      %parallel_loop3A_126 = vector.shape_cast %parallel_loop3A_125 : vector<16xi32> to vector<16xi32>
      %parallel_loop3A_127 = arith.constant 0 : i32
      %parallel_loop3A_128 = vector.broadcast %parallel_loop3A_127 : i32 to vector<16xi32>
      %parallel_loop3A_129 = arith.cmpi slt, %parallel_loop3A_126, %parallel_loop3A_128 : vector<16xi32>
      %parallel_loop3A_130 = arith.constant 16 : i32
      %parallel_loop3A_131 = vector.broadcast %parallel_loop3A_130 : i32 to vector<16xi32>
      %parallel_loop3A_132 = arith.addi %parallel_loop3A_126, %parallel_loop3A_131 : vector<16xi32>
      %parallel_loop3A_133 = arith.select %parallel_loop3A_129, %parallel_loop3A_132, %parallel_loop3A_126 : vector<16xi1>, vector<16xi32>
      %parallel_loop3A_134 = vector.shape_cast %parallel_loop3A_133 : vector<16xi32> to vector<16x1xi32>
      %parallel_loop3A_135 = vector.shape_cast %parallel_loop3A_134 : vector<16x1xi32> to vector<16xi32>
      %parallel_loop3A_136 = tpu.dynamic_gather %get3A_4[%parallel_loop3A_135] in [0] : vector<16xf32>, vector<16xi32> -> vector<16xf32>
      %parallel_loop3A_137 = arith.index_cast %parallel_loop3A_123 : i32 to index
      %parallel_loop3A_138 = tpu.vector_load %arg8[%parallel_loop3A_137] {strides = array<i32>} : memref<16384xf32, #tpu.memory_space<vmem>>, vector<16xf32>,
      %parallel_loop3A_139 = vector.shape_cast %parallel_loop3A_138 : vector<16xf32> to vector<16xf32>
      %parallel_loop3A_140 = vector.shape_cast %parallel_loop3A_136 : vector<16xf32> to vector<16xf32>
      tpu.vector_store %arg8[%parallel_loop3A_137], %parallel_loop3A_140 {strides = array<i32>} : memref<16384xf32, #tpu.memory_space<vmem>>, vector<16xf32>,
    } {sc.loop_unroll_factor = 8 : i64, sc.parallel_access}
    %add3A_103 = arith.constant 98304 : i32
    %add3A_104 = arith.addi %mul3A_2, %add3A_103 : i32
    %dma_start3A_105 = tpu.memref_slice %arg4[%add3A_104] : memref<4194304xf32, #tpu.memory_space<hbm>> -> memref<16384xf32, #tpu.memory_space<hbm>>
    %dma_start3A_106 = tpu.memref_slice %arg4[%add3A_104] : memref<4194304xf32, #tpu.memory_space<hbm>> -> memref<16384xf32, #tpu.memory_space<hbm>>
    tpu.enqueue_dma source(%arg8 : memref<16384xf32, #tpu.memory_space<vmem>>) target(%dma_start3A_106 : memref<16384xf32, #tpu.memory_space<hbm>>) target_semaphore(%arg12 : memref<!tpu.dma_semaphore, #tpu.memory_space<semaphore_mem>>)
    %dma_wait3A_107 = tpu.memref_slice %arg3[%add3A_95] : memref<4194304xi32, #tpu.memory_space<hbm>> -> memref<16384xi32, #tpu.memory_space<hbm>>
    %dma_wait3A_108 = tpu.memref_slice %arg3[%add3A_95] : memref<4194304xi32, #tpu.memory_space<hbm>> -> memref<16384xi32, #tpu.memory_space<hbm>>
    tpu.wait_dma2 semaphore(%arg11 : memref<!tpu.dma_semaphore, #tpu.memory_space<semaphore_mem>>) src(%dma_wait3A_108 : memref<16384xi32, #tpu.memory_space<hbm>>) dst(%arg7 : memref<16384xi32, #tpu.memory_space<vmem>>)
    %dma_wait3A_109 = tpu.memref_slice %arg4[%add3A_89] : memref<4194304xf32, #tpu.memory_space<hbm>> -> memref<16384xf32, #tpu.memory_space<hbm>>
    %dma_wait3A_110 = tpu.memref_slice %arg4[%add3A_89] : memref<4194304xf32, #tpu.memory_space<hbm>> -> memref<16384xf32, #tpu.memory_space<hbm>>
    tpu.wait_dma2 semaphore(%arg13 : memref<!tpu.dma_semaphore, #tpu.memory_space<semaphore_mem>>) src(%arg9 : memref<16384xf32, #tpu.memory_space<vmem>>) dst(%dma_wait3A_110 : memref<16384xf32, #tpu.memory_space<hbm>>)
    %parallel_loop3A_111 = arith.constant 0 : i32
    %parallel_loop3A_112 = arith.constant 16384 : i32
    %parallel_loop3A_113 = arith.constant 16 : i32
    scf.for %parallel_loop3A_122 = %parallel_loop3A_111 to %parallel_loop3A_112 step %parallel_loop3A_113  : i32 {
      %parallel_loop3A_123 = tpu.assume_multiple %parallel_loop3A_122, 16 : i32
      %parallel_loop3A_124 = arith.index_cast %parallel_loop3A_123 : i32 to index
      %parallel_loop3A_125 = tpu.vector_load %arg7[%parallel_loop3A_124] {strides = array<i32>} : memref<16384xi32, #tpu.memory_space<vmem>>, vector<16xi32>,
      %parallel_loop3A_126 = vector.shape_cast %parallel_loop3A_125 : vector<16xi32> to vector<16xi32>
      %parallel_loop3A_127 = arith.constant 0 : i32
      %parallel_loop3A_128 = vector.broadcast %parallel_loop3A_127 : i32 to vector<16xi32>
      %parallel_loop3A_129 = arith.cmpi slt, %parallel_loop3A_126, %parallel_loop3A_128 : vector<16xi32>
      %parallel_loop3A_130 = arith.constant 16 : i32
      %parallel_loop3A_131 = vector.broadcast %parallel_loop3A_130 : i32 to vector<16xi32>
      %parallel_loop3A_132 = arith.addi %parallel_loop3A_126, %parallel_loop3A_131 : vector<16xi32>
      %parallel_loop3A_133 = arith.select %parallel_loop3A_129, %parallel_loop3A_132, %parallel_loop3A_126 : vector<16xi1>, vector<16xi32>
      %parallel_loop3A_134 = vector.shape_cast %parallel_loop3A_133 : vector<16xi32> to vector<16x1xi32>
      %parallel_loop3A_135 = vector.shape_cast %parallel_loop3A_134 : vector<16x1xi32> to vector<16xi32>
      %parallel_loop3A_136 = tpu.dynamic_gather %get3A_4[%parallel_loop3A_135] in [0] : vector<16xf32>, vector<16xi32> -> vector<16xf32>
      %parallel_loop3A_137 = arith.index_cast %parallel_loop3A_123 : i32 to index
      %parallel_loop3A_138 = tpu.vector_load %arg9[%parallel_loop3A_137] {strides = array<i32>} : memref<16384xf32, #tpu.memory_space<vmem>>, vector<16xf32>,
      %parallel_loop3A_139 = vector.shape_cast %parallel_loop3A_138 : vector<16xf32> to vector<16xf32>
      %parallel_loop3A_140 = vector.shape_cast %parallel_loop3A_136 : vector<16xf32> to vector<16xf32>
      tpu.vector_store %arg9[%parallel_loop3A_137], %parallel_loop3A_140 {strides = array<i32>} : memref<16384xf32, #tpu.memory_space<vmem>>, vector<16xf32>,
    } {sc.loop_unroll_factor = 8 : i64, sc.parallel_access}
    %add3A_114 = arith.constant 114688 : i32
    %add3A_115 = arith.addi %mul3A_2, %add3A_114 : i32
    %dma_start3A_116 = tpu.memref_slice %arg4[%add3A_115] : memref<4194304xf32, #tpu.memory_space<hbm>> -> memref<16384xf32, #tpu.memory_space<hbm>>
    %dma_start3A_117 = tpu.memref_slice %arg4[%add3A_115] : memref<4194304xf32, #tpu.memory_space<hbm>> -> memref<16384xf32, #tpu.memory_space<hbm>>
    tpu.enqueue_dma source(%arg9 : memref<16384xf32, #tpu.memory_space<vmem>>) target(%dma_start3A_117 : memref<16384xf32, #tpu.memory_space<hbm>>) target_semaphore(%arg13 : memref<!tpu.dma_semaphore, #tpu.memory_space<semaphore_mem>>)
    %dma_wait3A_118 = tpu.memref_slice %arg4[%add3A_104] : memref<4194304xf32, #tpu.memory_space<hbm>> -> memref<16384xf32, #tpu.memory_space<hbm>>
    %dma_wait3A_119 = tpu.memref_slice %arg4[%add3A_104] : memref<4194304xf32, #tpu.memory_space<hbm>> -> memref<16384xf32, #tpu.memory_space<hbm>>
    tpu.wait_dma2 semaphore(%arg12 : memref<!tpu.dma_semaphore, #tpu.memory_space<semaphore_mem>>) src(%arg8 : memref<16384xf32, #tpu.memory_space<vmem>>) dst(%dma_wait3A_119 : memref<16384xf32, #tpu.memory_space<hbm>>)
    %dma_wait3A_120 = tpu.memref_slice %arg4[%add3A_115] : memref<4194304xf32, #tpu.memory_space<hbm>> -> memref<16384xf32, #tpu.memory_space<hbm>>
    %dma_wait3A_121 = tpu.memref_slice %arg4[%add3A_115] : memref<4194304xf32, #tpu.memory_space<hbm>> -> memref<16384xf32, #tpu.memory_space<hbm>>
    tpu.wait_dma2 semaphore(%arg13 : memref<!tpu.dma_semaphore, #tpu.memory_space<semaphore_mem>>) src(%arg9 : memref<16384xf32, #tpu.memory_space<vmem>>) dst(%dma_wait3A_121 : memref<16384xf32, #tpu.memory_space<hbm>>)
    return
  }
}

</mosaic_0001>

<sc_bundles>
// kernel: kernel.3.cloned.1.call-start
scs
__scs_entry_jumppad:
0x0: {  	(pc) =	sbr.rel $0x88, $3  }
0x1: {  	(tag) =	ssettag $0x0;
	lr =	simm.s32 $0x1  }
0x2: {  	[smem:$0x3F9F] =	sst lr;
	_ =	strace $0xD0000000  }
0x3: {  	_ = 	snop  }
0x4: {  	_ = 	snop  }
0x5: {  	_ = 	snop  }
0x6: {  	_ = 	snop  }
0x7: {  	_ = 	snop  }
__scs_overlays_trampoline_lowered:
0x8: {  	[smem:$0x3FAE] =	sst s0  }
0x9: {  	[smem:$0x3FAF] =	sst s1  }
0xa: {  	[smem:$0x3FB0] =	sst s2  }
0xb: {  	[smem:$0x3FB1] =	sst s3  }
0xc: {  	[smem:$0x3FB2] =	sst s4  }
0xd: {  	[smem:$0x3FB3] =	sst s5  }
0xe: {  	[smem:$0x3FB4] =	sst s6  }
0xf: {  	[smem:$0x3FB5] =	sst s7  }
0x10: {  	[smem:$0x3FB6] =	sst s8  }
0x11: {  	[smem:$0x3FB7] =	sst s9;
	s0 =	simm.s32 @!p0 $0x0  }
0x12: {  	s1 =	sld [smem:$0x3F9D];
	s0 =	simm.s32 @p0 $0x1  }
0x13: {  	[smem:$0x3FB8] =	sst s0;
	s0 =	simm.s32 @!p1 $0x0  }
0x14: {  	s2 =	sld [smem:$0x3F9C];
	s0 =	simm.s32 @p1 $0x1  }
0x15: {  	[smem:$0x3FB9] =	sst s0;
	s0 =	simm.s32 @!p2 $0x0  }
0x16: {  	s3 =	sld [smem:$0x3FDB];
	s0 =	simm.s32 @p2 $0x1  }
0x17: {  	s4 =	simm.s32 $0x1BF5;
	[smem:$0x3FBB] =	sst s0  }
0x18: {  	s0 =	sld [smem:$0x3F9E];
	_ =	swait.ge [sflag:s4], $0x0  }
0x19: {  	s7 =	sld [smem:$0x3F9F]  }
0x1a: {  	s8 =	sadd.s32 $0xFFFFE003, lr  }
0x1b: {  	s9 =	sadd.s32 $0xFFFFFEF7, lr;
	s5 =	simm.s32 $0xFFFFFFFF;
	p2 =	slt.u32 s8, $0xFFFFF086  }
0x1c: {  	p1 =	slt.u32 s9, $0xF7A;
	s5 =	simm.s32 @!p2 $0x0  }
0x1d: {  	s5 =	simm.s32 @p1 $0x1;
	p0 =	seq.s32 s7, s2  }
0x1e: {  	s7 =	smul.u32 @!p0 $0xF7A, s2;
	p2 =	seq.s32 @!p0 s5, $0x0  }
0x1f: {  	s9 =	smul.u32 $0xF7A, s1;
	s8 =	simm.s32 @!p0 $0x1BF5;
	p2 =	por !p2, p0  }
0x20: {  	[sflag:s8] =	ssyncset.s32 @!p0 $0xFFFFF086;
	s6 =	sadd.s32 @!p0 s3, s7;
	s7 =	simm.s32 @!p0 $0x108  }
0x21: {  	s3 =	sadd.s32 s3, s9;
	s6 =	sadd.s32 @!p0 $0x88, s6;
	s7 =	simm.s32 @p2 $0x1082  }
0x22: {  	[simem:s7], [sflag:s8] =	dma.local @!p0 [hbm:s6], $0xF7A  }
0x23: {  	s9 =	sor.u32 $0xD0000000, s2;
	s6 =	simm.s32 $0x108;
	_ =	swait.ge @!p0 [sflag:s8], $0x0  }
0x24: {  	s3 =	sadd.s32 $0x88, s3;
	s6 =	simm.s32 @!p1 $0x1082;
	[sflag:s4] =	ssyncset.s32 $0xFFFFF086  }
0x25: {  	[simem:s6], [sflag:s4] =	dma.local [hbm:s3], $0xF7A  }
0x26: {  	[smem:$0x3F9F] =	sst s1;
	(tag) =	ssettag s2;
	_ =	strace s9  }
0x27: {  	s1 =	sld [smem:$0x3FAF]  }
0x28: {  	s2 =	sld [smem:$0x3FB0]  }
0x29: {  	s4 =	sld [smem:$0x3FB2]  }
0x2a: {  	p0 =	seq.s32 s5, $0x0;
	s5 =	sld [smem:$0x3FB3]  }
0x2b: {  	s6 =	sld [smem:$0x3FB4]  }
0x2c: {  	s7 =	sld [smem:$0x3FB5]  }
0x2d: {  	s3 =	simm.s32 $0x108;
	s8 =	sld [smem:$0x3FB6]  }
0x2e: {  	s3 =	simm.s32 @!p0 $0x1082;
	s9 =	sld [smem:$0x3FB7]  }
0x2f: {  	lr =	sadd.s32 s0, s3;
	s0 =	sld [smem:$0x3FAE]  }
0x30: {  	s3 =	sld [smem:$0x3FB1]  }
0x31: {  	[smem:$0x3FBA] =	sst s10  }
0x32: {  	s10 =	sld [smem:$0x3FB8];
	_ =	sdelay $0x3  }
0x33: {  	p0 =	seq.s32 s10, $0x1;
	s10 =	sld [smem:$0x3FBA];
	_ =	sdelay $0x3  }
0x34: {  	[smem:$0x3FBA] =	sst s10  }
0x35: {  	s10 =	sld [smem:$0x3FB9];
	_ =	sdelay $0x3  }
0x36: {  	p1 =	seq.s32 s10, $0x1;
	s10 =	sld [smem:$0x3FBA];
	_ =	sdelay $0x3  }
0x37: {  	[smem:$0x3FBA] =	sst s10  }
0x38: {  	s10 =	sld [smem:$0x3FBB]  }
0x39: {  	_ = 	snop;
	(pc) =	sbr.ind lr, $3  }
0x3a: {  	_ = 	snop  }
0x3b: {  	_ = 	snop  }
0x3c: {  	p2 =	seq.s32 s10, $0x1;
	s10 =	sld [smem:$0x3FBA]  }
0x3d: {  	_ =	shalt  }
0x3e: {  	_ =	shalt  }
0x3f: {  	_ =	shalt  }
0x40: {  	_ =	shalt  }
0x41: {  	_ =	shalt  }
0x42: {  	_ =	shalt  }
0x43: {  	_ =	shalt  }
0x44: {  	_ =	shalt  }
0x45: {  	_ =	shalt  }
0x46: {  	_ =	shalt  }
0x47: {  	_ =	shalt  }
0x48: {  	_ =	shalt  }
0x49: {  	_ =	shalt  }
0x4a: {  	_ =	shalt  }
0x4b: {  	_ =	shalt  }
0x4c: {  	_ =	shalt  }
0x4d: {  	_ =	shalt  }
0x4e: {  	_ =	shalt  }
0x4f: {  	_ =	shalt  }
0x50: {  	_ =	shalt  }
0x51: {  	_ =	shalt  }
0x52: {  	_ =	shalt  }
0x53: {  	_ =	shalt  }
0x54: {  	_ =	shalt  }
0x55: {  	_ =	shalt  }
0x56: {  	_ =	shalt  }
0x57: {  	_ =	shalt  }
0x58: {  	_ =	shalt  }
0x59: {  	_ =	shalt  }
0x5a: {  	_ =	shalt  }
0x5b: {  	_ =	shalt  }
0x5c: {  	_ =	shalt  }
0x5d: {  	_ =	shalt  }
0x5e: {  	_ =	shalt  }
0x5f: {  	_ =	shalt  }
0x60: {  	_ =	shalt  }
0x61: {  	_ =	shalt  }
0x62: {  	_ =	shalt  }
0x63: {  	_ =	shalt  }
0x64: {  	_ =	shalt  }
0x65: {  	_ =	shalt  }
0x66: {  	_ =	shalt  }
0x67: {  	_ =	shalt  }
0x68: {  	_ =	shalt  }
0x69: {  	_ =	shalt  }
0x6a: {  	_ =	shalt  }
0x6b: {  	_ =	shalt  }
0x6c: {  	_ =	shalt  }
0x6d: {  	_ =	shalt  }
0x6e: {  	_ =	shalt  }
0x6f: {  	_ =	shalt  }
0x70: {  	_ =	shalt  }
0x71: {  	_ =	shalt  }
0x72: {  	_ =	shalt  }
0x73: {  	_ =	shalt  }
0x74: {  	_ =	shalt  }
0x75: {  	_ =	shalt  }
0x76: {  	_ =	shalt  }
0x77: {  	_ =	shalt  }
0x78: {  	_ =	shalt  }
0x79: {  	_ =	shalt  }
0x7a: {  	_ =	shalt  }
0x7b: {  	_ =	shalt  }
0x7c: {  	_ =	shalt  }
0x7d: {  	_ =	shalt  }
0x7e: {  	_ =	shalt  }
0x7f: {  	_ =	shalt  }
0x80: {  	_ =	shalt  }
0x81: {  	_ =	shalt  }
0x82: {  	_ =	shalt  }
0x83: {  	_ =	shalt  }
0x84: {  	_ =	shalt  }
0x85: {  	_ =	shalt  }
0x86: {  	_ =	shalt  }
0x87: {  	_ =	shalt  }
.Lfunc_end0:
.L_simem_size_0:
called_computation_lowered:
.L_overlay_start_0:
0x88: {  	s2 =	sld [smem:$0x3FD9]  }
0x89: {  	s3 =	sld [smem:$0x3FFE];
	_ =	sdelay $0x1  }
0x8a: {  	s1 =	srdreg.scid  }
0x8b: {  	s0 =	sand.u32 $0x1, s1  }
0x8c: {  	s18 =	sshll.u32 s0, $0xA;
	s2 =	sadd.s32 s3, s2  }
0x8d: {  	s2 =	sadd.s32 s2, s18  }
0x8e: {  	[smem:$0x3FC6] =	sst s2  }
0x8f: {  	_ = 	snop  }
0x90: {  	s2 =	sld [smem:$0x3FC9]  }
0x91: {  	s19 =	sld [smem:$0x3FC8]  }
0x92: {  	s4 =	sld [smem:$0x3FD0];
	(tm) =	ssettm $0x1  }
0x93: {  	s5 =	sld [smem:$0x3FFB];
	_ =	sdelay $0x3  }
0x94: {  	_ =	strace s5  }
0x95: {  	s5 =	sld [smem:$0x3FFC];
	_ =	sdelay $0x3  }
0x96: {  	_ =	strace s5  }
0x97: {  	s5 =	sld [smem:$0x3FFD];
	_ =	sdelay $0x3  }
0x98: {  	_ =	strace s5  }
0x99: {  	_ =	strace $0x8FFFFFFF  }
0x9a: {  	s20 =	sld [smem:$0x3FDB];
	_ =	sdelay $0x1  }
0x9b: {  	s6 =	simm.s32 $_scs_section_size  }
0x9c: {  	s7 =	simm.s32 $_size__tile_overlayer_lowered;
	s8 =	simm.s32 $_tile_overlayer_lowered  }
0x9d: {  	s23 =	simm.s32 $0x1BFF;
	s22 =	sshll.u32 s8, $0x1;
	s5 =	sadd.s32 s6, s20  }
0x9e: {  	s9 =	simm.s32 $0x0;
	s21 =	sshll.u32 s7, $0x1;
	s7 =	sadd.s32 s22, s5  }
0x9f: {  	[timem:s9], [sflag:s23] =	dma.local [hbm:s7], s21  }
0xa0: {  	_ =	swait.ge [sflag:s23], s21  }
0xa1: {  	s6 =	ssub.s32 $0x0, s21;
	[sflag:s23] =	ssyncset.done $0x0  }
0xa2: {  	[sflag:s23] =	ssyncadd.s32 s6;
	_ =	sdelay $0x1  }
0xa3: {  	s24 =	simm.s32 $0x1B8B  }
0xa4: {  	_ =	swait.ge [sflag:s24], $0x1  }
0xa5: {  	[sflag:s24] =	ssyncset.done $0x0  }
0xa6: {  	s25 =	simm.s32 $0x1B8E;
	[sflag:s24] =	ssyncadd.s32 $0xFFFFFFFF  }
0xa7: {  	s26 =	simm.s32 $execute0_lowered;
	[smem:$0x3FD2] =	sst s25  }
0xa8: {  	s6 =	sshll.u32 s26, $0x1;
	_ =	strace $0x80000046;
	[dreg:$0x1] =	wrdreg $0xFFFFFFFF  }
0xa9: {  	s28 =	simm.s32 $_size_execute0_lowered;
	s5 =	sadd.s32 s5, s6;
	[dreg:$0x0] =	wrdreg $0x0  }
0xaa: {  	s6 =	sshll.u32 s28, $0x1;
	[dreg:$0x2] =	wrdreg s5  }
0xab: {  	[dreg:$0x3] =	wrdreg s6  }
0xac: {  	[dreg:$0x4] =	wrdreg $0xC0  }
0xad: {  	_ =	task [dreg:s9], $0x5FFFF  }
0xae: {  	[dreg:$0x1] =	wrdreg $0xFFFFFFFF  }
0xaf: {  	[dreg:$0x0] =	wrdreg $0x60  }
0xb0: {  	[dreg:$0x2] =	wrdreg s19  }
0xb1: {  	[dreg:$0x3] =	wrdreg s2  }
0xb2: {  	[dreg:$0x4] =	wrdreg s4  }
0xb3: {  	[dreg:$0x5] =	wrdreg $0x9  }
0xb4: {  	_ =	task.clear_ibuf [dreg:s9], $0x6FFFF;
	_ =	strace $0x90000046  }
0xb5: {  	s29 =	simm.s32 $0x9;
	_ =	strace $0x80000048  }
0xb6: {  	_ =	swait.ge [sflag:s29], $0x1  }
0xb7: {  	[sflag:s29] =	ssyncadd.s32 $0xFFFFFFFF  }
0xb8: {  	_ =	strace $0x90000048  }
0xb9: {  	_ =	sfence  }
0xba: {  	s30 =	sld [smem:$0x0];
	_ =	sdelay $0x2  }
0xbb: {  	s31 =	sshll.u32 s1, $0xD;
	s1 =	sshrl.u32 s1, $0x2  }
0xbc: {  	s3 =	sand.u32 $0x4000, s31;
	s1 =	sadd.s32 s1, s30  }
0xbd: {  	s0 =	sor.u32 s3, s0;
	s1 =	sshll.u32 s1, $0x11  }
0xbe: {  	s0 =	sor.u32 s1, s0  }
0xbf: {  	s0 =	sadd.s32 $0x8F2B, s0  }
0xc0: {  	[sflag:s0] =	ssyncadd.remote.s32 $0x1  }
0xc1: {  	_ =	sfence.sel $0xFFFF  }
0xc2: {  	[dreg:$0x0] =	wrdreg $0xFFFFFFFF;
	(pc) =	sbr.abs _section_cstart, $3  }
0xc3: {  	[dreg:$0x1] =	wrdreg $0xFFFFFFFF  }
0xc4: {  	_ =	task.clear_ibuf [dreg:s9], $0x2FFFF;
	_ =	strace $0x9FFFFFFF  }
0xc5: {  	(tm) =	ssettm $0x7FFFFFFF  }
tec
execute0_lowered:
.L_overlay_start_1:
0x0: {  	(tag) =	ssettag $0x1  }
0x1: {  	s0 =	rddreg [dreg:$0x1]  }
0x2: {  	s1 =	rddreg [dreg:$0x2];
	s2 =	srdreg.scid  }
0x3: {  	s3 =	simm.s32 $0x0;
	s5 =	stileid.u32;
	s21 =	simm.s32 $0x5  }
0x4: {  	s22 =	simm.s32 $0x80;
	s23 =	simm.s32 $0x1;
	s24 =	simm.s32 $0x4080  }
0x5: {  	s25 =	simm.s32 $0x8080;
	s26 =	simm.s32 $0x2;
	s28 =	simm.s32 $0xC080  }
0x6: {  	s29 =	simm.s32 $0x3;
	s30 =	simm.s32 $0x4;
	s2 =	sand.u32 $0x1, s2  }
0x7: {  	s31 =	simm.s32 $0x0;
	s5 =	sshll.u32 s5, $0xF;
	s4 =	ssub.s32 $0x2, s2  }
0x8: {  	[smem:$0x7FF] =	sst s3;
	s2 =	sshll.u32 s2, $0xE;
	s6 =	sshrl.u32 s4, $0x1  }
0x9: {  	_ =	strace $0x80000047;
	s2 =	sor.u32 s2, s5;
	s20 =	ssub.s32 s4, s6  }
0xa: {  	s8 =	sor.u32 $0x800, s2;
	s4 =	sadd.s32 s0, s2;
	s10 =	sor.u32 $0x1000, s2  }
0xb: {  	s6 =	sadd.s32 s1, s2;
	s12 =	sor.u32 $0x1800, s2;
	s14 =	sor.u32 $0x2000, s2  }
0xc: {  	s16 =	sor.u32 $0x2800, s2;
	s18 =	sor.u32 $0x3000, s2;
	s2 =	sor.u32 $0x3800, s2  }
0xd: {  	s5 =	sadd.s32 s0, s8;
	s7 =	sadd.s32 s0, s10;
	s8 =	sadd.s32 s1, s8  }
0xe: {  	s9 =	sadd.s32 s0, s12;
	s10 =	sadd.s32 s1, s10;
	s11 =	sadd.s32 s0, s14  }
0xf: {  	s12 =	sadd.s32 s1, s12;
	s13 =	sadd.s32 s0, s16;
	s14 =	sadd.s32 s1, s14  }
0x10: {  	s15 =	sadd.s32 s0, s18;
	s16 =	sadd.s32 s1, s16;
	s17 =	sadd.s32 s0, s2  }
0x11: {  	s18 =	sadd.s32 s1, s18;
	s19 =	sadd.s32 s1, s2;
	s20 =	smax.u32 s20, $0x1  }
.LBB2_1:
0x12: {  	s0 =	rddreg [dreg:$0x0]  }
0x13: {  	[tilespmem:s3], [sflag:$0x5] =	stream.linear.gather [hbm4b:s0+s3], $0x4, $0x38;
	[tilespmem:$0x10080] =	vst v63  }
0x14: {  	_ =	swait.ge [sflag:s21], $0x4  }
0x15: {  	[sflag:s21] =	ssyncset.done $0x0  }
0x16: {  	[sflag:s21] =	ssyncadd.s32 $0xFFFFFFFC  }
0x17: {  	v0 =	vld [tilespmem:$0x0];
	[tilespmem:s22], [sflag:$0x1] =	stream.linear.gather [hbm4b:s4+s3], $0x4000, $0x38  }
0x18: {  	_ =	swait.ge [sflag:s23], $0x4000  }
0x19: {  	[sflag:s23] =	ssyncset.done $0x0  }
0x1a: {  	s1 =	simm.s32 $0xC0;
	[sflag:s23] =	ssyncadd.s32 $0xFFFFC000  }
0x1b: {  	[tilespmem:s24], [sflag:$0x2] =	stream.linear.gather [hbm4b:s5+s3], $0x4000, $0x38;
	[tilespmem:$0x10080] =	vst v63  }
0x1c: {  	v3 =	vld [tilespmem:s1+$0x30]  }
0x1d: {  	v5 =	vld [tilespmem:s1+$0xFFFFFFD0]  }
0x1e: {  	v7 =	vld [tilespmem:s1+$0xFFFFFFE0]  }
0x1f: {  	v4 =	vld [tilespmem:s1+$0xFFFFFFF0]  }
0x20: {  	v2 =	vld [tilespmem:s1+$0x0]  }
0x21: {  	v1 =	vld [tilespmem:s1+$0x10];
	v8 =	vperm.xlane v0, v3  }
0x22: {  	s0 =	simm.s32 $0x80C0;
	v3 =	vld [tilespmem:s1+$0x20];
	v6 =	vperm.xlane v0, v5  }
0x23: {  	s2 =	simm.s32 $0x0;
	v5 =	vld [tilespmem:s1+$0xFFFFFFC0];
	v7 =	vperm.xlane v0, v7;
	s1 =	simm.s32 $0x140;
	[tilespmem:s0+$0x30] =	vst v8  }
.LBB2_2:
0x24: {  	v8 =	vld [tilespmem:s1+$0x30];
	s2 =	sadd.s32 $0x80, s2;
	[tilespmem:s0+$0xFFFFFFD0] =	vst v6;
	v4 =	vperm.xlane v0, v4  }
0x25: {  	v6 =	vld [tilespmem:s1+$0xFFFFFFD0];
	p0 =	slt.u32 s2, $0x3F80;
	[tilespmem:s0+$0xFFFFFFE0] =	vst v7;
	v2 =	vperm.xlane v0, v2  }
0x26: {  	v7 =	vld [tilespmem:s1+$0xFFFFFFE0];
	[tilespmem:s0+$0xFFFFFFF0] =	vst v4;
	v1 =	vperm.xlane v0, v1  }
.Ltmp0:
0x27: {  	v4 =	vld [tilespmem:s1+$0xFFFFFFF0];
	[tilespmem:s0+$0x0] =	vst v2;
	v3 =	vperm.xlane v0, v3;
	(pc) =	sbr.rel @p0 .LBB2_2-.Ltmp0, $4  }
0x28: {  	v2 =	vld [tilespmem:s1+$0x0];
	v5 =	vperm.xlane v0, v5;
	[tilespmem:s0+$0x10] =	vst v1  }
0x29: {  	v1 =	vld [tilespmem:s1+$0x10];
	v8 =	vperm.xlane v0, v8;
	[tilespmem:s0+$0x20] =	vst v3  }
0x2a: {  	v6 =	vperm.xlane v0, v6;
	v3 =	vld [tilespmem:s1+$0x20];
	[tilespmem:s0+$0xFFFFFFC0] =	vst v5;
	s0 =	sadd.s32 $0x80, s0  }
0x2b: {  	v5 =	vld [tilespmem:s1+$0xFFFFFFC0];
	v7 =	vperm.xlane v0, v7;
	[tilespmem:s0+$0x30] =	vst v8;
	s1 =	sadd.s32 $0x80, s1  }
0x2c: {  	[tilespmem:s0+$0xFFFFFFD0] =	vst v6;
	v4 =	vperm.xlane v0, v4  }
0x2d: {  	[tilespmem:s0+$0xFFFFFFE0] =	vst v7;
	v2 =	vperm.xlane v0, v2  }
0x2e: {  	[tilespmem:s0+$0xFFFFFFF0] =	vst v4;
	v1 =	vperm.xlane v0, v1  }
0x2f: {  	[tilespmem:s0+$0x0] =	vst v2;
	v2 =	vperm.xlane v0, v3  }
0x30: {  	v3 =	vperm.xlane v0, v5;
	[tilespmem:s0+$0x10] =	vst v1  }
0x31: {  	[tilespmem:s0+$0x20] =	vst v2  }
0x32: {  	[tilespmem:s0+$0xFFFFFFC0] =	vst v3  }
0x33: {  	[hbm4b:s6+s3] =	stream.linear.scatter [tilespmem:s25], [sflag:$0x3], $0x4000, $0x38;
	[tilespmem:$0x10080] =	vst v63  }
0x34: {  	_ =	swait.ge [sflag:s26], $0x4000  }
0x35: {  	[sflag:s26] =	ssyncset.done $0x0  }
0x36: {  	s1 =	simm.s32 $0x40C0;
	[sflag:s26] =	ssyncadd.s32 $0xFFFFC000  }
0x37: {  	[tilespmem:s22], [sflag:$0x1] =	stream.linear.gather [hbm4b:s7+s3], $0x4000, $0x38;
	[tilespmem:$0x10080] =	vst v63  }
0x38: {  	v3 =	vld [tilespmem:s1+$0x30]  }
0x39: {  	v5 =	vld [tilespmem:s1+$0xFFFFFFD0]  }
0x3a: {  	v7 =	vld [tilespmem:s1+$0xFFFFFFE0]  }
0x3b: {  	v4 =	vld [tilespmem:s1+$0xFFFFFFF0]  }
0x3c: {  	v2 =	vld [tilespmem:s1+$0x0]  }
0x3d: {  	v1 =	vld [tilespmem:s1+$0x10];
	v8 =	vperm.xlane v0, v3  }
0x3e: {  	s0 =	simm.s32 $0xC0C0;
	v3 =	vld [tilespmem:s1+$0x20];
	v6 =	vperm.xlane v0, v5  }
0x3f: {  	s2 =	simm.s32 $0x0;
	v5 =	vld [tilespmem:s1+$0xFFFFFFC0];
	v7 =	vperm.xlane v0, v7;
	s1 =	simm.s32 $0x4140;
	[tilespmem:s0+$0x30] =	vst v8  }
.LBB2_4:
0x40: {  	v8 =	vld [tilespmem:s1+$0x30];
	s2 =	sadd.s32 $0x80, s2;
	[tilespmem:s0+$0xFFFFFFD0] =	vst v6;
	v4 =	vperm.xlane v0, v4  }
0x41: {  	v6 =	vld [tilespmem:s1+$0xFFFFFFD0];
	p0 =	slt.u32 s2, $0x3F80;
	[tilespmem:s0+$0xFFFFFFE0] =	vst v7;
	v2 =	vperm.xlane v0, v2  }
0x42: {  	v7 =	vld [tilespmem:s1+$0xFFFFFFE0];
	[tilespmem:s0+$0xFFFFFFF0] =	vst v4;
	v1 =	vperm.xlane v0, v1  }
.Ltmp1:
0x43: {  	v4 =	vld [tilespmem:s1+$0xFFFFFFF0];
	[tilespmem:s0+$0x0] =	vst v2;
	v3 =	vperm.xlane v0, v3;
	(pc) =	sbr.rel @p0 .LBB2_4-.Ltmp1, $4  }
0x44: {  	v2 =	vld [tilespmem:s1+$0x0];
	v5 =	vperm.xlane v0, v5;
	[tilespmem:s0+$0x10] =	vst v1  }
0x45: {  	v1 =	vld [tilespmem:s1+$0x10];
	v8 =	vperm.xlane v0, v8;
	[tilespmem:s0+$0x20] =	vst v3  }
0x46: {  	v6 =	vperm.xlane v0, v6;
	v3 =	vld [tilespmem:s1+$0x20];
	[tilespmem:s0+$0xFFFFFFC0] =	vst v5;
	s0 =	sadd.s32 $0x80, s0  }
0x47: {  	v5 =	vld [tilespmem:s1+$0xFFFFFFC0];
	v7 =	vperm.xlane v0, v7;
	[tilespmem:s0+$0x30] =	vst v8;
	s1 =	sadd.s32 $0x80, s1  }
0x48: {  	[tilespmem:s0+$0xFFFFFFD0] =	vst v6;
	v4 =	vperm.xlane v0, v4  }
0x49: {  	[tilespmem:s0+$0xFFFFFFE0] =	vst v7;
	v2 =	vperm.xlane v0, v2  }
0x4a: {  	[tilespmem:s0+$0xFFFFFFF0] =	vst v4;
	v1 =	vperm.xlane v0, v1  }
0x4b: {  	[tilespmem:s0+$0x0] =	vst v2;
	v2 =	vperm.xlane v0, v3  }
0x4c: {  	v3 =	vperm.xlane v0, v5;
	[tilespmem:s0+$0x10] =	vst v1  }
0x4d: {  	[tilespmem:s0+$0x20] =	vst v2  }
0x4e: {  	[tilespmem:s0+$0xFFFFFFC0] =	vst v3  }
0x4f: {  	[hbm4b:s8+s3] =	stream.linear.scatter [tilespmem:s28], [sflag:$0x4], $0x4000, $0x38;
	[tilespmem:$0x10080] =	vst v63  }
0x50: {  	_ =	swait.ge [sflag:s23], $0x4000  }
0x51: {  	[sflag:s23] =	ssyncset.done $0x0  }
0x52: {  	[sflag:s23] =	ssyncadd.s32 $0xFFFFC000  }
0x53: {  	[tilespmem:s24], [sflag:$0x2] =	stream.linear.gather [hbm4b:s9+s3], $0x4000, $0x38;
	[tilespmem:$0x10080] =	vst v63  }
0x54: {  	_ =	swait.ge [sflag:s29], $0x4000  }
0x55: {  	[sflag:s29] =	ssyncset.done $0x0  }
0x56: {  	s1 =	simm.s32 $0xC0;
	[sflag:s29] =	ssyncadd.s32 $0xFFFFC000  }
0x57: {  	v3 =	vld [tilespmem:s1+$0x30]  }
0x58: {  	v5 =	vld [tilespmem:s1+$0xFFFFFFD0]  }
0x59: {  	v7 =	vld [tilespmem:s1+$0xFFFFFFE0]  }
0x5a: {  	v4 =	vld [tilespmem:s1+$0xFFFFFFF0]  }
0x5b: {  	v2 =	vld [tilespmem:s1+$0x0]  }
0x5c: {  	v1 =	vld [tilespmem:s1+$0x10];
	v8 =	vperm.xlane v0, v3  }
0x5d: {  	s0 =	simm.s32 $0x80C0;
	v3 =	vld [tilespmem:s1+$0x20];
	v6 =	vperm.xlane v0, v5  }
0x5e: {  	s2 =	simm.s32 $0x0;
	v5 =	vld [tilespmem:s1+$0xFFFFFFC0];
	v7 =	vperm.xlane v0, v7;
	s1 =	simm.s32 $0x140;
	[tilespmem:s0+$0x30] =	vst v8  }
.LBB2_6:
0x5f: {  	v8 =	vld [tilespmem:s1+$0x30];
	s2 =	sadd.s32 $0x80, s2;
	[tilespmem:s0+$0xFFFFFFD0] =	vst v6;
	v4 =	vperm.xlane v0, v4  }
0x60: {  	v6 =	vld [tilespmem:s1+$0xFFFFFFD0];
	p0 =	slt.u32 s2, $0x3F80;
	[tilespmem:s0+$0xFFFFFFE0] =	vst v7;
	v2 =	vperm.xlane v0, v2  }
0x61: {  	v7 =	vld [tilespmem:s1+$0xFFFFFFE0];
	[tilespmem:s0+$0xFFFFFFF0] =	vst v4;
	v1 =	vperm.xlane v0, v1  }
.Ltmp2:
0x62: {  	v4 =	vld [tilespmem:s1+$0xFFFFFFF0];
	[tilespmem:s0+$0x0] =	vst v2;
	v3 =	vperm.xlane v0, v3;
	(pc) =	sbr.rel @p0 .LBB2_6-.Ltmp2, $4  }
0x63: {  	v2 =	vld [tilespmem:s1+$0x0];
	v5 =	vperm.xlane v0, v5;
	[tilespmem:s0+$0x10] =	vst v1  }
0x64: {  	v1 =	vld [tilespmem:s1+$0x10];
	v8 =	vperm.xlane v0, v8;
	[tilespmem:s0+$0x20] =	vst v3  }
0x65: {  	v6 =	vperm.xlane v0, v6;
	v3 =	vld [tilespmem:s1+$0x20];
	[tilespmem:s0+$0xFFFFFFC0] =	vst v5;
	s0 =	sadd.s32 $0x80, s0  }
0x66: {  	v5 =	vld [tilespmem:s1+$0xFFFFFFC0];
	v7 =	vperm.xlane v0, v7;
	[tilespmem:s0+$0x30] =	vst v8;
	s1 =	sadd.s32 $0x80, s1  }
0x67: {  	[tilespmem:s0+$0xFFFFFFD0] =	vst v6;
	v4 =	vperm.xlane v0, v4  }
0x68: {  	[tilespmem:s0+$0xFFFFFFE0] =	vst v7;
	v2 =	vperm.xlane v0, v2  }
0x69: {  	[tilespmem:s0+$0xFFFFFFF0] =	vst v4;
	v1 =	vperm.xlane v0, v1  }
0x6a: {  	[tilespmem:s0+$0x0] =	vst v2;
	v2 =	vperm.xlane v0, v3  }
0x6b: {  	v3 =	vperm.xlane v0, v5;
	[tilespmem:s0+$0x10] =	vst v1  }
0x6c: {  	[tilespmem:s0+$0x20] =	vst v2  }
0x6d: {  	[tilespmem:s0+$0xFFFFFFC0] =	vst v3  }
0x6e: {  	[hbm4b:s10+s3] =	stream.linear.scatter [tilespmem:s25], [sflag:$0x3], $0x4000, $0x38;
	[tilespmem:$0x10080] =	vst v63  }
0x6f: {  	_ =	swait.ge [sflag:s26], $0x4000  }
0x70: {  	[sflag:s26] =	ssyncset.done $0x0  }
0x71: {  	[sflag:s26] =	ssyncadd.s32 $0xFFFFC000  }
0x72: {  	[tilespmem:s22], [sflag:$0x1] =	stream.linear.gather [hbm4b:s11+s3], $0x4000, $0x38;
	[tilespmem:$0x10080] =	vst v63  }
0x73: {  	_ =	swait.ge [sflag:s30], $0x4000  }
0x74: {  	[sflag:s30] =	ssyncset.done $0x0  }
0x75: {  	s1 =	simm.s32 $0x40C0;
	[sflag:s30] =	ssyncadd.s32 $0xFFFFC000  }
0x76: {  	v3 =	vld [tilespmem:s1+$0x30]  }
0x77: {  	v5 =	vld [tilespmem:s1+$0xFFFFFFD0]  }
0x78: {  	v7 =	vld [tilespmem:s1+$0xFFFFFFE0]  }
0x79: {  	v4 =	vld [tilespmem:s1+$0xFFFFFFF0]  }
0x7a: {  	v2 =	vld [tilespmem:s1+$0x0]  }
0x7b: {  	v1 =	vld [tilespmem:s1+$0x10];
	v8 =	vperm.xlane v0, v3  }
0x7c: {  	s0 =	simm.s32 $0xC0C0;
	v3 =	vld [tilespmem:s1+$0x20];
	v6 =	vperm.xlane v0, v5  }
0x7d: {  	s2 =	simm.s32 $0x0;
	v5 =	vld [tilespmem:s1+$0xFFFFFFC0];
	v7 =	vperm.xlane v0, v7;
	s1 =	simm.s32 $0x4140;
	[tilespmem:s0+$0x30] =	vst v8  }
.LBB2_8:
0x7e: {  	v8 =	vld [tilespmem:s1+$0x30];
	s2 =	sadd.s32 $0x80, s2;
	[tilespmem:s0+$0xFFFFFFD0] =	vst v6;
	v4 =	vperm.xlane v0, v4  }
0x7f: {  	v6 =	vld [tilespmem:s1+$0xFFFFFFD0];
	p0 =	slt.u32 s2, $0x3F80;
	[tilespmem:s0+$0xFFFFFFE0] =	vst v7;
	v2 =	vperm.xlane v0, v2  }
0x80: {  	v7 =	vld [tilespmem:s1+$0xFFFFFFE0];
	[tilespmem:s0+$0xFFFFFFF0] =	vst v4;
	v1 =	vperm.xlane v0, v1  }
.Ltmp3:
0x81: {  	v4 =	vld [tilespmem:s1+$0xFFFFFFF0];
	[tilespmem:s0+$0x0] =	vst v2;
	v3 =	vperm.xlane v0, v3;
	(pc) =	sbr.rel @p0 .LBB2_8-.Ltmp3, $4  }
0x82: {  	v2 =	vld [tilespmem:s1+$0x0];
	v5 =	vperm.xlane v0, v5;
	[tilespmem:s0+$0x10] =	vst v1  }
0x83: {  	v1 =	vld [tilespmem:s1+$0x10];
	v8 =	vperm.xlane v0, v8;
	[tilespmem:s0+$0x20] =	vst v3  }
0x84: {  	v6 =	vperm.xlane v0, v6;
	v3 =	vld [tilespmem:s1+$0x20];
	[tilespmem:s0+$0xFFFFFFC0] =	vst v5;
	s0 =	sadd.s32 $0x80, s0  }
0x85: {  	v5 =	vld [tilespmem:s1+$0xFFFFFFC0];
	v7 =	vperm.xlane v0, v7;
	[tilespmem:s0+$0x30] =	vst v8;
	s1 =	sadd.s32 $0x80, s1  }
0x86: {  	[tilespmem:s0+$0xFFFFFFD0] =	vst v6;
	v4 =	vperm.xlane v0, v4  }
0x87: {  	[tilespmem:s0+$0xFFFFFFE0] =	vst v7;
	v2 =	vperm.xlane v0, v2  }
0x88: {  	[tilespmem:s0+$0xFFFFFFF0] =	vst v4;
	v1 =	vperm.xlane v0, v1  }
0x89: {  	[tilespmem:s0+$0x0] =	vst v2;
	v2 =	vperm.xlane v0, v3  }
0x8a: {  	v3 =	vperm.xlane v0, v5;
	[tilespmem:s0+$0x10] =	vst v1  }
0x8b: {  	[tilespmem:s0+$0x20] =	vst v2  }
0x8c: {  	[tilespmem:s0+$0xFFFFFFC0] =	vst v3  }
0x8d: {  	[hbm4b:s12+s3] =	stream.linear.scatter [tilespmem:s28], [sflag:$0x4], $0x4000, $0x38;
	[tilespmem:$0x10080] =	vst v63  }
0x8e: {  	_ =	swait.ge [sflag:s23], $0x4000  }
0x8f: {  	[sflag:s23] =	ssyncset.done $0x0  }
0x90: {  	[sflag:s23] =	ssyncadd.s32 $0xFFFFC000  }
0x91: {  	[tilespmem:s24], [sflag:$0x2] =	stream.linear.gather [hbm4b:s13+s3], $0x4000, $0x38;
	[tilespmem:$0x10080] =	vst v63  }
0x92: {  	_ =	swait.ge [sflag:s29], $0x4000  }
0x93: {  	[sflag:s29] =	ssyncset.done $0x0  }
0x94: {  	s1 =	simm.s32 $0xC0;
	[sflag:s29] =	ssyncadd.s32 $0xFFFFC000  }
0x95: {  	v3 =	vld [tilespmem:s1+$0x30]  }
0x96: {  	v5 =	vld [tilespmem:s1+$0xFFFFFFD0]  }
0x97: {  	v7 =	vld [tilespmem:s1+$0xFFFFFFE0]  }
0x98: {  	v4 =	vld [tilespmem:s1+$0xFFFFFFF0]  }
0x99: {  	v2 =	vld [tilespmem:s1+$0x0]  }
0x9a: {  	v1 =	vld [tilespmem:s1+$0x10];
	v8 =	vperm.xlane v0, v3  }
0x9b: {  	s0 =	simm.s32 $0x80C0;
	v3 =	vld [tilespmem:s1+$0x20];
	v6 =	vperm.xlane v0, v5  }
0x9c: {  	s2 =	simm.s32 $0x0;
	v5 =	vld [tilespmem:s1+$0xFFFFFFC0];
	v7 =	vperm.xlane v0, v7;
	s1 =	simm.s32 $0x140;
	[tilespmem:s0+$0x30] =	vst v8  }
.LBB2_10:
0x9d: {  	v8 =	vld [tilespmem:s1+$0x30];
	s2 =	sadd.s32 $0x80, s2;
	[tilespmem:s0+$0xFFFFFFD0] =	vst v6;
	v4 =	vperm.xlane v0, v4  }
0x9e: {  	v6 =	vld [tilespmem:s1+$0xFFFFFFD0];
	p0 =	slt.u32 s2, $0x3F80;
	[tilespmem:s0+$0xFFFFFFE0] =	vst v7;
	v2 =	vperm.xlane v0, v2  }
0x9f: {  	v7 =	vld [tilespmem:s1+$0xFFFFFFE0];
	[tilespmem:s0+$0xFFFFFFF0] =	vst v4;
	v1 =	vperm.xlane v0, v1  }
.Ltmp4:
0xa0: {  	v4 =	vld [tilespmem:s1+$0xFFFFFFF0];
	[tilespmem:s0+$0x0] =	vst v2;
	v3 =	vperm.xlane v0, v3;
	(pc) =	sbr.rel @p0 .LBB2_10-.Ltmp4, $4  }
0xa1: {  	v2 =	vld [tilespmem:s1+$0x0];
	v5 =	vperm.xlane v0, v5;
	[tilespmem:s0+$0x10] =	vst v1  }
0xa2: {  	v1 =	vld [tilespmem:s1+$0x10];
	v8 =	vperm.xlane v0, v8;
	[tilespmem:s0+$0x20] =	vst v3  }
0xa3: {  	v6 =	vperm.xlane v0, v6;
	v3 =	vld [tilespmem:s1+$0x20];
	[tilespmem:s0+$0xFFFFFFC0] =	vst v5;
	s0 =	sadd.s32 $0x80, s0  }
0xa4: {  	v5 =	vld [tilespmem:s1+$0xFFFFFFC0];
	v7 =	vperm.xlane v0, v7;
	[tilespmem:s0+$0x30] =	vst v8;
	s1 =	sadd.s32 $0x80, s1  }
0xa5: {  	[tilespmem:s0+$0xFFFFFFD0] =	vst v6;
	v4 =	vperm.xlane v0, v4  }
0xa6: {  	[tilespmem:s0+$0xFFFFFFE0] =	vst v7;
	v2 =	vperm.xlane v0, v2  }
0xa7: {  	[tilespmem:s0+$0xFFFFFFF0] =	vst v4;
	v1 =	vperm.xlane v0, v1  }
0xa8: {  	[tilespmem:s0+$0x0] =	vst v2;
	v2 =	vperm.xlane v0, v3  }
0xa9: {  	v3 =	vperm.xlane v0, v5;
	[tilespmem:s0+$0x10] =	vst v1  }
0xaa: {  	[tilespmem:s0+$0x20] =	vst v2  }
0xab: {  	[tilespmem:s0+$0xFFFFFFC0] =	vst v3  }
0xac: {  	[hbm4b:s14+s3] =	stream.linear.scatter [tilespmem:s25], [sflag:$0x3], $0x4000, $0x38;
	[tilespmem:$0x10080] =	vst v63  }
0xad: {  	_ =	swait.ge [sflag:s26], $0x4000  }
0xae: {  	[sflag:s26] =	ssyncset.done $0x0  }
0xaf: {  	[sflag:s26] =	ssyncadd.s32 $0xFFFFC000  }
0xb0: {  	[tilespmem:s22], [sflag:$0x1] =	stream.linear.gather [hbm4b:s15+s3], $0x4000, $0x38;
	[tilespmem:$0x10080] =	vst v63  }
0xb1: {  	_ =	swait.ge [sflag:s30], $0x4000  }
0xb2: {  	[sflag:s30] =	ssyncset.done $0x0  }
0xb3: {  	s1 =	simm.s32 $0x40C0;
	[sflag:s30] =	ssyncadd.s32 $0xFFFFC000  }
0xb4: {  	v3 =	vld [tilespmem:s1+$0x30]  }
0xb5: {  	v5 =	vld [tilespmem:s1+$0xFFFFFFD0]  }
0xb6: {  	v7 =	vld [tilespmem:s1+$0xFFFFFFE0]  }
0xb7: {  	v4 =	vld [tilespmem:s1+$0xFFFFFFF0]  }
0xb8: {  	v2 =	vld [tilespmem:s1+$0x0]  }
0xb9: {  	v1 =	vld [tilespmem:s1+$0x10];
	v8 =	vperm.xlane v0, v3  }
0xba: {  	s0 =	simm.s32 $0xC0C0;
	v3 =	vld [tilespmem:s1+$0x20];
	v6 =	vperm.xlane v0, v5  }
0xbb: {  	s2 =	simm.s32 $0x0;
	v5 =	vld [tilespmem:s1+$0xFFFFFFC0];
	v7 =	vperm.xlane v0, v7;
	s1 =	simm.s32 $0x4140;
	[tilespmem:s0+$0x30] =	vst v8  }
.LBB2_12:
0xbc: {  	v8 =	vld [tilespmem:s1+$0x30];
	s2 =	sadd.s32 $0x80, s2;
	[tilespmem:s0+$0xFFFFFFD0] =	vst v6;
	v4 =	vperm.xlane v0, v4  }
0xbd: {  	v6 =	vld [tilespmem:s1+$0xFFFFFFD0];
	p0 =	slt.u32 s2, $0x3F80;
	[tilespmem:s0+$0xFFFFFFE0] =	vst v7;
	v2 =	vperm.xlane v0, v2  }
0xbe: {  	v7 =	vld [tilespmem:s1+$0xFFFFFFE0];
	[tilespmem:s0+$0xFFFFFFF0] =	vst v4;
	v1 =	vperm.xlane v0, v1  }
.Ltmp5:
0xbf: {  	v4 =	vld [tilespmem:s1+$0xFFFFFFF0];
	[tilespmem:s0+$0x0] =	vst v2;
	v3 =	vperm.xlane v0, v3;
	(pc) =	sbr.rel @p0 .LBB2_12-.Ltmp5, $4  }
0xc0: {  	v2 =	vld [tilespmem:s1+$0x0];
	v5 =	vperm.xlane v0, v5;
	[tilespmem:s0+$0x10] =	vst v1  }
0xc1: {  	v1 =	vld [tilespmem:s1+$0x10];
	v8 =	vperm.xlane v0, v8;
	[tilespmem:s0+$0x20] =	vst v3  }
0xc2: {  	v6 =	vperm.xlane v0, v6;
	v3 =	vld [tilespmem:s1+$0x20];
	[tilespmem:s0+$0xFFFFFFC0] =	vst v5;
	s0 =	sadd.s32 $0x80, s0  }
0xc3: {  	v5 =	vld [tilespmem:s1+$0xFFFFFFC0];
	v7 =	vperm.xlane v0, v7;
	[tilespmem:s0+$0x30] =	vst v8;
	s1 =	sadd.s32 $0x80, s1  }
0xc4: {  	[tilespmem:s0+$0xFFFFFFD0] =	vst v6;
	v4 =	vperm.xlane v0, v4  }
0xc5: {  	[tilespmem:s0+$0xFFFFFFE0] =	vst v7;
	v2 =	vperm.xlane v0, v2  }
0xc6: {  	[tilespmem:s0+$0xFFFFFFF0] =	vst v4;
	v1 =	vperm.xlane v0, v1  }
0xc7: {  	[tilespmem:s0+$0x0] =	vst v2;
	v2 =	vperm.xlane v0, v3  }
0xc8: {  	v3 =	vperm.xlane v0, v5;
	[tilespmem:s0+$0x10] =	vst v1  }
0xc9: {  	[tilespmem:s0+$0x20] =	vst v2  }
0xca: {  	[tilespmem:s0+$0xFFFFFFC0] =	vst v3  }
0xcb: {  	[hbm4b:s16+s3] =	stream.linear.scatter [tilespmem:s28], [sflag:$0x4], $0x4000, $0x38;
	[tilespmem:$0x10080] =	vst v63  }
0xcc: {  	_ =	swait.ge [sflag:s23], $0x4000  }
0xcd: {  	[sflag:s23] =	ssyncset.done $0x0  }
0xce: {  	[sflag:s23] =	ssyncadd.s32 $0xFFFFC000  }
0xcf: {  	[tilespmem:s24], [sflag:$0x2] =	stream.linear.gather [hbm4b:s17+s3], $0x4000, $0x38;
	[tilespmem:$0x10080] =	vst v63  }
0xd0: {  	_ =	swait.ge [sflag:s29], $0x4000  }
0xd1: {  	[sflag:s29] =	ssyncset.done $0x0  }
0xd2: {  	s1 =	simm.s32 $0xC0;
	[sflag:s29] =	ssyncadd.s32 $0xFFFFC000  }
0xd3: {  	v3 =	vld [tilespmem:s1+$0x30]  }
0xd4: {  	v5 =	vld [tilespmem:s1+$0xFFFFFFD0]  }
0xd5: {  	v7 =	vld [tilespmem:s1+$0xFFFFFFE0]  }
0xd6: {  	v4 =	vld [tilespmem:s1+$0xFFFFFFF0]  }
0xd7: {  	v2 =	vld [tilespmem:s1+$0x0]  }
0xd8: {  	v1 =	vld [tilespmem:s1+$0x10];
	v8 =	vperm.xlane v0, v3  }
0xd9: {  	s0 =	simm.s32 $0x80C0;
	v3 =	vld [tilespmem:s1+$0x20];
	v6 =	vperm.xlane v0, v5  }
0xda: {  	s2 =	simm.s32 $0x0;
	v5 =	vld [tilespmem:s1+$0xFFFFFFC0];
	v7 =	vperm.xlane v0, v7;
	s1 =	simm.s32 $0x140;
	[tilespmem:s0+$0x30] =	vst v8  }
.LBB2_14:
0xdb: {  	v8 =	vld [tilespmem:s1+$0x30];
	s2 =	sadd.s32 $0x80, s2;
	[tilespmem:s0+$0xFFFFFFD0] =	vst v6;
	v4 =	vperm.xlane v0, v4  }
0xdc: {  	v6 =	vld [tilespmem:s1+$0xFFFFFFD0];
	p0 =	slt.u32 s2, $0x3F80;
	[tilespmem:s0+$0xFFFFFFE0] =	vst v7;
	v2 =	vperm.xlane v0, v2  }
0xdd: {  	v7 =	vld [tilespmem:s1+$0xFFFFFFE0];
	[tilespmem:s0+$0xFFFFFFF0] =	vst v4;
	v1 =	vperm.xlane v0, v1  }
.Ltmp6:
0xde: {  	v4 =	vld [tilespmem:s1+$0xFFFFFFF0];
	[tilespmem:s0+$0x0] =	vst v2;
	v3 =	vperm.xlane v0, v3;
	(pc) =	sbr.rel @p0 .LBB2_14-.Ltmp6, $4  }
0xdf: {  	v2 =	vld [tilespmem:s1+$0x0];
	v5 =	vperm.xlane v0, v5;
	[tilespmem:s0+$0x10] =	vst v1  }
0xe0: {  	v1 =	vld [tilespmem:s1+$0x10];
	v8 =	vperm.xlane v0, v8;
	[tilespmem:s0+$0x20] =	vst v3  }
0xe1: {  	v6 =	vperm.xlane v0, v6;
	v3 =	vld [tilespmem:s1+$0x20];
	[tilespmem:s0+$0xFFFFFFC0] =	vst v5;
	s0 =	sadd.s32 $0x80, s0  }
0xe2: {  	v5 =	vld [tilespmem:s1+$0xFFFFFFC0];
	v7 =	vperm.xlane v0, v7;
	[tilespmem:s0+$0x30] =	vst v8;
	s1 =	sadd.s32 $0x80, s1  }
0xe3: {  	[tilespmem:s0+$0xFFFFFFD0] =	vst v6;
	v4 =	vperm.xlane v0, v4  }
0xe4: {  	[tilespmem:s0+$0xFFFFFFE0] =	vst v7;
	v2 =	vperm.xlane v0, v2  }
0xe5: {  	[tilespmem:s0+$0xFFFFFFF0] =	vst v4;
	v1 =	vperm.xlane v0, v1  }
0xe6: {  	[tilespmem:s0+$0x0] =	vst v2;
	v2 =	vperm.xlane v0, v3  }
0xe7: {  	v3 =	vperm.xlane v0, v5;
	[tilespmem:s0+$0x10] =	vst v1  }
0xe8: {  	[tilespmem:s0+$0x20] =	vst v2  }
0xe9: {  	[tilespmem:s0+$0xFFFFFFC0] =	vst v3  }
0xea: {  	[hbm4b:s18+s3] =	stream.linear.scatter [tilespmem:s25], [sflag:$0x3], $0x4000, $0x38;
	[tilespmem:$0x10080] =	vst v63  }
0xeb: {  	_ =	swait.ge [sflag:s26], $0x4000  }
0xec: {  	[sflag:s26] =	ssyncset.done $0x0  }
0xed: {  	[sflag:s26] =	ssyncadd.s32 $0xFFFFC000  }
0xee: {  	_ =	swait.ge [sflag:s30], $0x4000  }
0xef: {  	[sflag:s30] =	ssyncset.done $0x0  }
0xf0: {  	s1 =	simm.s32 $0x40C0;
	[sflag:s30] =	ssyncadd.s32 $0xFFFFC000  }
0xf1: {  	v3 =	vld [tilespmem:s1+$0x30]  }
0xf2: {  	v5 =	vld [tilespmem:s1+$0xFFFFFFD0]  }
0xf3: {  	v7 =	vld [tilespmem:s1+$0xFFFFFFE0]  }
0xf4: {  	v4 =	vld [tilespmem:s1+$0xFFFFFFF0]  }
0xf5: {  	v2 =	vld [tilespmem:s1+$0x0]  }
0xf6: {  	v1 =	vld [tilespmem:s1+$0x10];
	v8 =	vperm.xlane v0, v3  }
0xf7: {  	s0 =	simm.s32 $0xC0C0;
	v3 =	vld [tilespmem:s1+$0x20];
	v6 =	vperm.xlane v0, v5  }
0xf8: {  	s2 =	simm.s32 $0x0;
	v5 =	vld [tilespmem:s1+$0xFFFFFFC0];
	v7 =	vperm.xlane v0, v7;
	s1 =	simm.s32 $0x4140;
	[tilespmem:s0+$0x30] =	vst v8  }
.LBB2_16:
0xf9: {  	v8 =	vld [tilespmem:s1+$0x30];
	s2 =	sadd.s32 $0x80, s2;
	[tilespmem:s0+$0xFFFFFFD0] =	vst v6;
	v4 =	vperm.xlane v0, v4  }
0xfa: {  	v6 =	vld [tilespmem:s1+$0xFFFFFFD0];
	p0 =	slt.u32 s2, $0x3F80;
	[tilespmem:s0+$0xFFFFFFE0] =	vst v7;
	v2 =	vperm.xlane v0, v2  }
0xfb: {  	v7 =	vld [tilespmem:s1+$0xFFFFFFE0];
	[tilespmem:s0+$0xFFFFFFF0] =	vst v4;
	v1 =	vperm.xlane v0, v1  }
.Ltmp7:
0xfc: {  	v4 =	vld [tilespmem:s1+$0xFFFFFFF0];
	[tilespmem:s0+$0x0] =	vst v2;
	v3 =	vperm.xlane v0, v3;
	(pc) =	sbr.rel @p0 .LBB2_16-.Ltmp7, $4  }
0xfd: {  	v2 =	vld [tilespmem:s1+$0x0];
	v5 =	vperm.xlane v0, v5;
	[tilespmem:s0+$0x10] =	vst v1  }
0xfe: {  	v1 =	vld [tilespmem:s1+$0x10];
	v8 =	vperm.xlane v0, v8;
	[tilespmem:s0+$0x20] =	vst v3  }
0xff: {  	v6 =	vperm.xlane v0, v6;
	v3 =	vld [tilespmem:s1+$0x20];
	[tilespmem:s0+$0xFFFFFFC0] =	vst v5;
	s0 =	sadd.s32 $0x80, s0  }
0x100: {  	v5 =	vld [tilespmem:s1+$0xFFFFFFC0];
	v7 =	vperm.xlane v0, v7;
	[tilespmem:s0+$0x30] =	vst v8;
	s1 =	sadd.s32 $0x80, s1  }
0x101: {  	[tilespmem:s0+$0xFFFFFFD0] =	vst v6;
	v4 =	vperm.xlane v0, v4  }
0x102: {  	[tilespmem:s0+$0xFFFFFFE0] =	vst v7;
	v2 =	vperm.xlane v0, v2  }
0x103: {  	[tilespmem:s0+$0xFFFFFFF0] =	vst v4;
	v1 =	vperm.xlane v0, v1  }
0x104: {  	[tilespmem:s0+$0x0] =	vst v2;
	v62 =	vperm.xlane v0, v3  }
0x105: {  	v63 =	vperm.xlane v0, v5;
	[tilespmem:s0+$0x10] =	vst v1  }
0x106: {  	[tilespmem:s0+$0x20] =	vst v62  }
0x107: {  	s31 =	sadd.s32 $0x1, s31;
	[tilespmem:s0+$0xFFFFFFC0] =	vst v63  }
0x108: {  	[hbm4b:s19+s3] =	stream.linear.scatter [tilespmem:s28], [sflag:$0x4], $0x4000, $0x38;
	[tilespmem:$0x10080] =	vst v63  }
0x109: {  	p0 =	sne.s32 s31, s20;
	_ =	swait.ge [sflag:s29], $0x4000  }
.Ltmp8:
0x10a: {  	[sflag:s29] =	ssyncset.done $0x0;
	(pc) =	sbr.rel @p0 .LBB2_1-.Ltmp8, $4  }
0x10b: {  	[sflag:s29] =	ssyncadd.s32 $0xFFFFC000  }
0x10c: {  	_ =	swait.ge [sflag:s30], $0x4000  }
0x10d: {  	[sflag:s30] =	ssyncset.done $0x0  }
0x10e: {  	[sflag:s30] =	ssyncadd.s32 $0xFFFFC000  }
0x10f: {  	_ =	sfence.sel $0x180000  }
0x110: {  	[bflag:$0x0] =	sbarrier.arrive $0xFFFF  }
0x111: {  	_ =	strace $0x90000047  }
0x112: {  	s0 =	stileid.u32;
	[bflag:$0x2] =	sbarrier.arrive $0xFFFF  }
0x113: {  	p0 =	sne.s32 s0, $0x0;
	s0 =	rddreg [dreg:$0x3]  }
0x114: {  	s0 =	sadd.s32 @!p0 $0x100000, s0  }
0x115: {  	[sflag:s0] =	ssyncadd.tile.s32 @!p0 $0x1;
	_ =	shalt  }
.Lfunc_end2:
_tile_overlayer_lowered:
.L_overlay_start_2:
0x116: {  	(tag) =	ssettag $0x2  }
0x117: {  	s0 =	rddreg [dreg:$0x0];
	s2 =	stileid.u32  }
0x118: {  	s1 =	rddreg [dreg:$0x1];
	p0 =	sne.s32 s2, $0x0  }
0x119: {  	s3 =	rddreg [dreg:$0x2];
	[bflag:$0x3] =	sbarrier.arrive $0xFFFF;
	s2 =	simm.s32 @!p0 $0x1C05  }
0x11a: {  	[timem:s3], [sflag:s2] =	dma.local @!p0 [hbm:s0], s1  }
0x11b: {  	s0 =	simm.s32 @!p0 $0x5  }
0x11c: {  	_ =	swait.ge @!p0 [sflag:s0], s1  }
0x11d: {  	s1 =	ssub.s32 @!p0 $0x0, s1;
	[sflag:s0] =	ssyncset.done @!p0 $0x0  }
0x11e: {  	[sflag:s0] =	ssyncadd.s32 @!p0 s1  }
0x11f: {  	[bflag:$0x3] =	sbarrier.arrive $0xFFFF  }
0x120: {  	_ =	shalt  }

</sc_bundles>
